<compile_context>
chip_gen: v7x
topology: tpu7x:2x2x1
jax: 0.10.2.dev20260603
libtpu: 0.0.44.dev20260713+nightly
codegen_flags: <defaults>
</compile_context>

<pallas_src>
import functools

import jax
import jax.numpy as jnp
from jax import lax
from jax.experimental import pallas as pl
from jax.experimental.pallas import tpu as pltpu
from jax.experimental.pallas import tpu_sc as plsc

B = 8
K = 32768
OUT_SIZE = 2048
IN_SIZE = 2048
EPS4 = 4e-6
RSQRT2 = 0.7071067811865476

NC = 2
NS = 16
NW = NC * NS
CH = (B * K) // NW
LANES = 16
ITERS = CH // LANES
WPB = NW // B
GPC = NS // WPB


@functools.partial(
    pl.kernel,
    out_type=jax.ShapeDtypeStruct((B, OUT_SIZE), jnp.float32),
    mesh=plsc.VectorSubcoreMesh(core_axis_name="c", subcore_axis_name="s"),
    compiler_params=pltpu.CompilerParams(needs_layout_passes=False,
                                         use_tc_tiling_on_sc=True),
    scratch_types=[
        pltpu.VMEM((CH,), jnp.float32),
        pltpu.VMEM((CH,), jnp.float32),
        pltpu.VMEM((CH,), jnp.float32),
        pltpu.VMEM((CH,), jnp.float32),
        pltpu.VMEM((CH,), jnp.float32),
        pltpu.VMEM((IN_SIZE,), jnp.float32),
        pltpu.VMEM((OUT_SIZE,), jnp.float32),
        pltpu.VMEM((WPB * OUT_SIZE,), jnp.float32),
        pltpu.VMEM_SHARED((NS * OUT_SIZE,), jnp.float32),
    ],
)
def _sc_hyper(p_hbm, v_hbm, x_hbm, out_hbm,
              mo_v, mi_v, so_v, si_v, v_v, x_v, y_v, red_v, shr):
    c = lax.axis_index("c")
    s = lax.axis_index("s")
    wid = c * NS + s
    b = wid // WPB
    leader = (s % WPB) == 0
    k0 = (wid % WPB) * CH

    pltpu.sync_copy(p_hbm.at[0, b, pl.ds(k0, CH)], mo_v)
    pltpu.sync_copy(p_hbm.at[1, b, pl.ds(k0, CH)], mi_v)
    pltpu.sync_copy(p_hbm.at[2, b, pl.ds(k0, CH)], so_v)
    pltpu.sync_copy(p_hbm.at[3, b, pl.ds(k0, CH)], si_v)
    pltpu.sync_copy(v_hbm.at[b, pl.ds(k0, CH)], v_v)
    pltpu.sync_copy(x_hbm.at[b], x_v)

    zeros = jnp.zeros((LANES,), jnp.float32)

    @plsc.parallel_loop(0, OUT_SIZE // LANES, unroll=4)
    def _(j):
        y_v[pl.ds(pl.multiple_of(j * LANES, LANES), LANES)] = zeros

    one_i = jnp.ones((LANES,), jnp.int32)
    zero_i = jnp.zeros((LANES,), jnp.int32)
    zero_f = jnp.zeros((LANES,), jnp.float32)

    @plsc.parallel_loop(0, ITERS, unroll=3)
    def body(i):
        off = pl.multiple_of(i * LANES, LANES)
        mo = mo_v[pl.ds(off, LANES)]
        mi = mi_v[pl.ds(off, LANES)]
        so = so_v[pl.ds(off, LANES)]
        si = si_v[pl.ds(off, LANES)]
        val = v_v[pl.ds(off, LANES)]

        flo_i = mo.astype(jnp.int32)
        flo = flo_i.astype(jnp.float32)
        fli_i = mi.astype(jnp.int32)
        fli = fli_i.astype(jnp.float32)
        fo = mo - flo
        fi = mi - fli
        po = fo > 0.0
        pi = fi > 0.0

        co = RSQRT2 / so
        ci = RSQRT2 / si
        uo = fo * co
        ui = fi * ci
        go = jnp.where(po, co - uo, zero_f)
        gi = jnp.where(pi, ci - ui, zero_f)
        ao = jnp.exp(-(uo * uo))
        bo = jnp.exp(-(go * go))
        ai = jnp.exp(-(ui * ui))
        bi = jnp.exp(-(gi * gi))

        total = (ao + bo) * (ai + bi) + EPS4
        scale = val / total

        ceo_i = flo_i + jnp.where(po, one_i, zero_i)
        cei_i = fli_i + jnp.where(pi, one_i, zero_i)

        xf = plsc.load_gather(x_v, [fli_i])
        xc = plsc.load_gather(x_v, [cei_i])
        t = scale * (ai * xf + bi * xc)
        plsc.addupdate_scatter(y_v, [flo_i], ao * t)
        plsc.addupdate_scatter(y_v, [ceo_i], bo * t)

    pltpu.sync_copy(y_v, shr.at[pl.ds(s * OUT_SIZE, OUT_SIZE)])
    plsc.subcore_barrier()

    @pl.when(leader)
    def _():
        pltpu.sync_copy(shr.at[pl.ds(s * OUT_SIZE, WPB * OUT_SIZE)], red_v)

        @plsc.parallel_loop(0, OUT_SIZE // LANES, unroll=4)
        def _(j):
            off = pl.multiple_of(j * LANES, LANES)
            acc = ((red_v[pl.ds(off, LANES)]
                    + red_v[pl.ds(off + OUT_SIZE, LANES)])
                   + (red_v[pl.ds(off + 2 * OUT_SIZE, LANES)]
                      + red_v[pl.ds(off + 3 * OUT_SIZE, LANES)]))
            y_v[pl.ds(off, LANES)] = acc
        pltpu.sync_copy(y_v, out_hbm.at[b])


def kernel(means, sigmas, values, x):
    packed = jnp.stack([means[:, :, 0], means[:, :, 1],
                        sigmas[:, :, 0], sigmas[:, :, 1]])
    return _sc_hyper(packed, values, x)

# --- scband reference (transcript-rebuilt; emitter-appended) ---
"""Pipeline reference for scband-hyper-layer-55155970015946 (READ-ONLY COPY).

The authoritative reference and input builder live on the scoring server;
editing this copy changes nothing except your own understanding.
"""

import jax, jax.numpy as jnp
import numpy as np
import itertools

B = 8
K = 32768
R = 2
OUT_SIZE = 2048
IN_SIZE = 2048
EPSILON = 1e-6


def setup_inputs(seed: int = 0) -> dict:
    key = jax.random.key(seed)
    k1, k2, k3, k4 = jax.random.split(key, 4)
    sizes = jnp.array([OUT_SIZE, IN_SIZE], dtype=jnp.float32)
    # real-valued index tuples in [0, size-1), as produced by split_out (sigmoid * (size-1))
    means = jax.random.uniform(k1, (B, K, R), dtype=jnp.float32) * (sizes - 1.0)
    # positive widths, as produced by softplus(. + SIGMA_BOOST) + EPSILON scaled by size
    sigmas = jax.random.uniform(k2, (B, K, R), dtype=jnp.float32) * 2.0 + 0.5
    values = jax.random.normal(k3, (B, K), dtype=jnp.float32)
    x = jax.random.normal(k4, (B, IN_SIZE), dtype=jnp.float32)
    return {"means": means, "sigmas": sigmas, "values": values, "x": x}


def reference(means, sigmas, values, x):
    # --- discretize: floor/ceil neighbor integer tuples (2^R per tuple) ---
    masks = jnp.asarray([[1.0 if b else 0.0 for b in bools]
                         for bools in itertools.product([True, False], repeat=R)],
                        dtype=jnp.float32)  # [2^R, R], 1 -> floor, 0 -> ceil
    fl = jnp.floor(means)
    ce = jnp.ceil(means)
    m = masks[None, None, :, :]
    neigh = m * fl[:, :, None, :] + (1.0 - m) * ce[:, :, None, :]  # [B,K,4,R]
    # torch uses means.data to build neighbor ints -> detached
    neigh = jax.lax.stop_gradient(neigh)
    hi = jnp.array([OUT_SIZE - 1, IN_SIZE - 1], dtype=jnp.int32)
    ints = jnp.clip(neigh.astype(jnp.int32), 0, hi)
    # --- densities: unnormalized Gaussian density of each int tuple under (means, sigmas) ---
    diff = neigh - means[:, :, None, :]
    props = jnp.exp(-0.5 * jnp.sum((diff / sigmas[:, :, None, :]) ** 2, axis=-1))  # [B,K,4]
    sums = jnp.sum(props + EPSILON, axis=2, keepdims=True)
    props = props / sums
    # values repeated over the 2^R neighbors, weighted by props
    vals = values[:, :, None] * props  # [B,K,4]
    # --- instantiate sparse weight matrix via scatter-add, then apply to input ---
    flat_idx = ints[..., 0] * IN_SIZE + ints[..., 1]  # [B,K,4]

    def scatter_one(fi, v):
        return jnp.zeros((OUT_SIZE * IN_SIZE,), dtype=jnp.float32).at[fi.reshape(-1)].add(v.reshape(-1))

    W = jax.vmap(scatter_one)(flat_idx, vals).reshape(B, OUT_SIZE, IN_SIZE)
    y = jnp.einsum('boi,bi->bo', W, x)
    return y

if __name__ == "__main__":
    import jax
    _d = setup_inputs()
    print(jax.jit(kernel)(*tuple(_d.values())))

</pallas_src>

<mosaic_0001>
#map = affine_map<(d0, d1) -> (0, 0, 0)>
#map1 = affine_map<(d0, d1) -> (0, 0)>
module attributes {stable_mosaic.version = 14 : i64} {
  func.func @_sc_hyper(%arg0: i32, %arg1: i32, %arg2: memref<4x8x32768xf32, #tpu.memory_space<hbm>>, %arg3: memref<8x32768xf32, #tpu.memory_space<hbm>>, %arg4: memref<8x2048xf32, #tpu.memory_space<hbm>>, %arg5: memref<8x2048xf32, #tpu.memory_space<hbm>>, %arg6: memref<8192xf32, #tpu.memory_space<vmem>>, %arg7: memref<8192xf32, #tpu.memory_space<vmem>>, %arg8: memref<8192xf32, #tpu.memory_space<vmem>>, %arg9: memref<8192xf32, #tpu.memory_space<vmem>>, %arg10: memref<8192xf32, #tpu.memory_space<vmem>>, %arg11: memref<2048xf32, #tpu.memory_space<vmem>>, %arg12: memref<2048xf32, #tpu.memory_space<vmem>>, %arg13: memref<8192xf32, #tpu.memory_space<vmem>>, %arg14: memref<32768xf32, #tpu.memory_space<vmem_shared>>) attributes {dimension_semantics = [#tpu.dimension_semantics<core_parallel>, #tpu.dimension_semantics<subcore_parallel>], iteration_bounds = array<i64: 2, 16>, scalar_prefetch = 0 : i64, scratch_operands = 9 : i64, tpu.core_type = #tpu.core_type<sc_vector_subcore>, window_params = [{transform_indices = #map}, {transform_indices = #map1}, {transform_indices = #map1}, {transform_indices = #map1}]} {
    %mul3A = arith.constant 16 : i32
    %mul3A_0 = arith.muli %arg0, %mul3A : i32
    %add3A = arith.addi %mul3A_0, %arg1 : i32
    %jit3A = arith.constant 4 : i32
    %div3A = arith.divsi %add3A, %jit3A : i32
    %sign3A = arith.constant 0 : i32
    %sign3A_1 = arith.cmpi sgt, %add3A, %sign3A : i32
    %sign3A_2 = arith.extui %sign3A_1 : i1 to i32
    %sign3A_3 = arith.constant 0 : i32
    %sign3A_4 = arith.cmpi slt, %add3A, %sign3A_3 : i32
    %sign3A_5 = arith.extui %sign3A_4 : i1 to i32
    %sign3A_6 = arith.subi %sign3A_2, %sign3A_5 : i32
    %sign3A_7 = arith.constant 0 : i32
    %sign3A_8 = arith.cmpi sgt, %jit3A, %sign3A_7 : i32
    %sign3A_9 = arith.extui %sign3A_8 : i1 to i32
    %sign3A_10 = arith.constant 0 : i32
    %sign3A_11 = arith.cmpi slt, %jit3A, %sign3A_10 : i32
    %sign3A_12 = arith.extui %sign3A_11 : i1 to i32
    %sign3A_13 = arith.subi %sign3A_9, %sign3A_12 : i32
    %ne3A = arith.cmpi ne, %sign3A_6, %sign3A_13 : i32
    %rem3A = arith.remsi %add3A, %jit3A : i32
    %ne3A_14 = arith.constant 0 : i32
    %ne3A_15 = arith.cmpi ne, %rem3A, %ne3A_14 : i32
    %and3A = arith.andi %ne3A, %ne3A_15 : i1
    %sub3A = arith.constant 1 : i32
    %sub3A_16 = arith.subi %div3A, %sub3A : i32
    %select_n3A = arith.select %and3A, %sub3A_16, %div3A : i32
    %jit3A_17 = arith.constant 4 : i32
    %eq3A = arith.constant 0 : i32
    %eq3A_18 = arith.cmpi eq, %jit3A_17, %eq3A : i32
    %jit3A_19 = arith.constant 1 : i32
    %select_n3A_20 = arith.select %eq3A_18, %jit3A_19, %jit3A_17 : i32
    %rem3A_21 = arith.remsi %arg1, %select_n3A_20 : i32
    %ne3A_22 = arith.constant 0 : i32
    %ne3A_23 = arith.cmpi ne, %rem3A_21, %ne3A_22 : i32
    %lt3A = arith.constant 0 : i32
    %lt3A_24 = arith.cmpi slt, %rem3A_21, %lt3A : i32
    %lt3A_25 = arith.constant 0 : i32
    %lt3A_26 = arith.cmpi slt, %select_n3A_20, %lt3A_25 : i32
    %ne3A_27 = arith.xori %lt3A_24, %lt3A_26 : i1
    %and3A_28 = arith.andi %ne3A_27, %ne3A_23 : i1
    %add3A_29 = arith.addi %rem3A_21, %select_n3A_20 : i32
    %select_n3A_30 = arith.select %and3A_28, %add3A_29, %rem3A_21 : i32
    %eq3A_31 = arith.constant 0 : i32
    %eq3A_32 = arith.cmpi eq, %select_n3A_30, %eq3A_31 : i32
    %jit3A_33 = arith.constant 4 : i32
    %eq3A_34 = arith.constant 0 : i32
    %eq3A_35 = arith.cmpi eq, %jit3A_33, %eq3A_34 : i32
    %jit3A_36 = arith.constant 1 : i32
    %select_n3A_37 = arith.select %eq3A_35, %jit3A_36, %jit3A_33 : i32
    %rem3A_38 = arith.remsi %add3A, %select_n3A_37 : i32
    %ne3A_39 = arith.constant 0 : i32
    %ne3A_40 = arith.cmpi ne, %rem3A_38, %ne3A_39 : i32
    %lt3A_41 = arith.constant 0 : i32
    %lt3A_42 = arith.cmpi slt, %rem3A_38, %lt3A_41 : i32
    %lt3A_43 = arith.constant 0 : i32
    %lt3A_44 = arith.cmpi slt, %select_n3A_37, %lt3A_43 : i32
    %ne3A_45 = arith.xori %lt3A_42, %lt3A_44 : i1
    %and3A_46 = arith.andi %ne3A_45, %ne3A_40 : i1
    %add3A_47 = arith.addi %rem3A_38, %select_n3A_37 : i32
    %select_n3A_48 = arith.select %and3A_46, %add3A_47, %rem3A_38 : i32
    %mul3A_49 = arith.constant 8192 : i32
    %mul3A_50 = arith.muli %select_n3A_48, %mul3A_49 : i32
    %run_scoped3A = arith.constant 0 : i32
    "tpu.region"() ({
      %run_scoped3A_69 = tpu.sem_alloc : memref<!tpu.dma_semaphore, #tpu.memory_space<semaphore_mem>>
      %dma_start3A = tpu.memref_slice %arg2[%run_scoped3A, %select_n3A, %mul3A_50] : memref<4x8x32768xf32, #tpu.memory_space<hbm>> -> memref<1x1x8192xf32, #tpu.memory_space<hbm>>
      %dma_start3A_70 = tpu.memref_squeeze %dma_start3A : memref<1x1x8192xf32, #tpu.memory_space<hbm>> -> memref<8192xf32, #tpu.memory_space<hbm>>
      %dma_start3A_71 = tpu.memref_slice %arg2[%run_scoped3A, %select_n3A, %mul3A_50] : memref<4x8x32768xf32, #tpu.memory_space<hbm>> -> memref<1x1x8192xf32, #tpu.memory_space<hbm>>
      %dma_start3A_72 = tpu.memref_squeeze %dma_start3A_71 : memref<1x1x8192xf32, #tpu.memory_space<hbm>> -> memref<8192xf32, #tpu.memory_space<hbm>>
      tpu.enqueue_dma source(%dma_start3A_72 : memref<8192xf32, #tpu.memory_space<hbm>>) target(%arg6 : memref<8192xf32, #tpu.memory_space<vmem>>) target_semaphore(%run_scoped3A_69 : memref<!tpu.dma_semaphore, #tpu.memory_space<semaphore_mem>>)
      %dma_wait3A = tpu.memref_slice %arg2[%run_scoped3A, %select_n3A, %mul3A_50] : memref<4x8x32768xf32, #tpu.memory_space<hbm>> -> memref<1x1x8192xf32, #tpu.memory_space<hbm>>
      %dma_wait3A_73 = tpu.memref_squeeze %dma_wait3A : memref<1x1x8192xf32, #tpu.memory_space<hbm>> -> memref<8192xf32, #tpu.memory_space<hbm>>
      %dma_wait3A_74 = tpu.memref_slice %arg2[%run_scoped3A, %select_n3A, %mul3A_50] : memref<4x8x32768xf32, #tpu.memory_space<hbm>> -> memref<1x1x8192xf32, #tpu.memory_space<hbm>>
      %dma_wait3A_75 = tpu.memref_squeeze %dma_wait3A_74 : memref<1x1x8192xf32, #tpu.memory_space<hbm>> -> memref<8192xf32, #tpu.memory_space<hbm>>
      tpu.wait_dma2 semaphore(%run_scoped3A_69 : memref<!tpu.dma_semaphore, #tpu.memory_space<semaphore_mem>>) src(%dma_wait3A_75 : memref<8192xf32, #tpu.memory_space<hbm>>) dst(%arg6 : memref<8192xf32, #tpu.memory_space<vmem>>)
      tpu.yield
    }) : () -> ()
    %run_scoped3A_51 = arith.constant 1 : i32
    "tpu.region"() ({
      %run_scoped3A_69 = tpu.sem_alloc : memref<!tpu.dma_semaphore, #tpu.memory_space<semaphore_mem>>
      %dma_start3A = tpu.memref_slice %arg2[%run_scoped3A_51, %select_n3A, %mul3A_50] : memref<4x8x32768xf32, #tpu.memory_space<hbm>> -> memref<1x1x8192xf32, #tpu.memory_space<hbm>>
      %dma_start3A_70 = tpu.memref_squeeze %dma_start3A : memref<1x1x8192xf32, #tpu.memory_space<hbm>> -> memref<8192xf32, #tpu.memory_space<hbm>>
      %dma_start3A_71 = tpu.memref_slice %arg2[%run_scoped3A_51, %select_n3A, %mul3A_50] : memref<4x8x32768xf32, #tpu.memory_space<hbm>> -> memref<1x1x8192xf32, #tpu.memory_space<hbm>>
      %dma_start3A_72 = tpu.memref_squeeze %dma_start3A_71 : memref<1x1x8192xf32, #tpu.memory_space<hbm>> -> memref<8192xf32, #tpu.memory_space<hbm>>
      tpu.enqueue_dma source(%dma_start3A_72 : memref<8192xf32, #tpu.memory_space<hbm>>) target(%arg7 : memref<8192xf32, #tpu.memory_space<vmem>>) target_semaphore(%run_scoped3A_69 : memref<!tpu.dma_semaphore, #tpu.memory_space<semaphore_mem>>)
      %dma_wait3A = tpu.memref_slice %arg2[%run_scoped3A_51, %select_n3A, %mul3A_50] : memref<4x8x32768xf32, #tpu.memory_space<hbm>> -> memref<1x1x8192xf32, #tpu.memory_space<hbm>>
      %dma_wait3A_73 = tpu.memref_squeeze %dma_wait3A : memref<1x1x8192xf32, #tpu.memory_space<hbm>> -> memref<8192xf32, #tpu.memory_space<hbm>>
      %dma_wait3A_74 = tpu.memref_slice %arg2[%run_scoped3A_51, %select_n3A, %mul3A_50] : memref<4x8x32768xf32, #tpu.memory_space<hbm>> -> memref<1x1x8192xf32, #tpu.memory_space<hbm>>
      %dma_wait3A_75 = tpu.memref_squeeze %dma_wait3A_74 : memref<1x1x8192xf32, #tpu.memory_space<hbm>> -> memref<8192xf32, #tpu.memory_space<hbm>>
      tpu.wait_dma2 semaphore(%run_scoped3A_69 : memref<!tpu.dma_semaphore, #tpu.memory_space<semaphore_mem>>) src(%dma_wait3A_75 : memref<8192xf32, #tpu.memory_space<hbm>>) dst(%arg7 : memref<8192xf32, #tpu.memory_space<vmem>>)
      tpu.yield
    }) : () -> ()
    %run_scoped3A_52 = arith.constant 2 : i32
    "tpu.region"() ({
      %run_scoped3A_69 = tpu.sem_alloc : memref<!tpu.dma_semaphore, #tpu.memory_space<semaphore_mem>>
      %dma_start3A = tpu.memref_slice %arg2[%run_scoped3A_52, %select_n3A, %mul3A_50] : memref<4x8x32768xf32, #tpu.memory_space<hbm>> -> memref<1x1x8192xf32, #tpu.memory_space<hbm>>
      %dma_start3A_70 = tpu.memref_squeeze %dma_start3A : memref<1x1x8192xf32, #tpu.memory_space<hbm>> -> memref<8192xf32, #tpu.memory_space<hbm>>
      %dma_start3A_71 = tpu.memref_slice %arg2[%run_scoped3A_52, %select_n3A, %mul3A_50] : memref<4x8x32768xf32, #tpu.memory_space<hbm>> -> memref<1x1x8192xf32, #tpu.memory_space<hbm>>
      %dma_start3A_72 = tpu.memref_squeeze %dma_start3A_71 : memref<1x1x8192xf32, #tpu.memory_space<hbm>> -> memref<8192xf32, #tpu.memory_space<hbm>>
      tpu.enqueue_dma source(%dma_start3A_72 : memref<8192xf32, #tpu.memory_space<hbm>>) target(%arg8 : memref<8192xf32, #tpu.memory_space<vmem>>) target_semaphore(%run_scoped3A_69 : memref<!tpu.dma_semaphore, #tpu.memory_space<semaphore_mem>>)
      %dma_wait3A = tpu.memref_slice %arg2[%run_scoped3A_52, %select_n3A, %mul3A_50] : memref<4x8x32768xf32, #tpu.memory_space<hbm>> -> memref<1x1x8192xf32, #tpu.memory_space<hbm>>
      %dma_wait3A_73 = tpu.memref_squeeze %dma_wait3A : memref<1x1x8192xf32, #tpu.memory_space<hbm>> -> memref<8192xf32, #tpu.memory_space<hbm>>
      %dma_wait3A_74 = tpu.memref_slice %arg2[%run_scoped3A_52, %select_n3A, %mul3A_50] : memref<4x8x32768xf32, #tpu.memory_space<hbm>> -> memref<1x1x8192xf32, #tpu.memory_space<hbm>>
      %dma_wait3A_75 = tpu.memref_squeeze %dma_wait3A_74 : memref<1x1x8192xf32, #tpu.memory_space<hbm>> -> memref<8192xf32, #tpu.memory_space<hbm>>
      tpu.wait_dma2 semaphore(%run_scoped3A_69 : memref<!tpu.dma_semaphore, #tpu.memory_space<semaphore_mem>>) src(%dma_wait3A_75 : memref<8192xf32, #tpu.memory_space<hbm>>) dst(%arg8 : memref<8192xf32, #tpu.memory_space<vmem>>)
      tpu.yield
    }) : () -> ()
    %run_scoped3A_53 = arith.constant 3 : i32
    "tpu.region"() ({
      %run_scoped3A_69 = tpu.sem_alloc : memref<!tpu.dma_semaphore, #tpu.memory_space<semaphore_mem>>
      %dma_start3A = tpu.memref_slice %arg2[%run_scoped3A_53, %select_n3A, %mul3A_50] : memref<4x8x32768xf32, #tpu.memory_space<hbm>> -> memref<1x1x8192xf32, #tpu.memory_space<hbm>>
      %dma_start3A_70 = tpu.memref_squeeze %dma_start3A : memref<1x1x8192xf32, #tpu.memory_space<hbm>> -> memref<8192xf32, #tpu.memory_space<hbm>>
      %dma_start3A_71 = tpu.memref_slice %arg2[%run_scoped3A_53, %select_n3A, %mul3A_50] : memref<4x8x32768xf32, #tpu.memory_space<hbm>> -> memref<1x1x8192xf32, #tpu.memory_space<hbm>>
      %dma_start3A_72 = tpu.memref_squeeze %dma_start3A_71 : memref<1x1x8192xf32, #tpu.memory_space<hbm>> -> memref<8192xf32, #tpu.memory_space<hbm>>
      tpu.enqueue_dma source(%dma_start3A_72 : memref<8192xf32, #tpu.memory_space<hbm>>) target(%arg9 : memref<8192xf32, #tpu.memory_space<vmem>>) target_semaphore(%run_scoped3A_69 : memref<!tpu.dma_semaphore, #tpu.memory_space<semaphore_mem>>)
      %dma_wait3A = tpu.memref_slice %arg2[%run_scoped3A_53, %select_n3A, %mul3A_50] : memref<4x8x32768xf32, #tpu.memory_space<hbm>> -> memref<1x1x8192xf32, #tpu.memory_space<hbm>>
      %dma_wait3A_73 = tpu.memref_squeeze %dma_wait3A : memref<1x1x8192xf32, #tpu.memory_space<hbm>> -> memref<8192xf32, #tpu.memory_space<hbm>>
      %dma_wait3A_74 = tpu.memref_slice %arg2[%run_scoped3A_53, %select_n3A, %mul3A_50] : memref<4x8x32768xf32, #tpu.memory_space<hbm>> -> memref<1x1x8192xf32, #tpu.memory_space<hbm>>
      %dma_wait3A_75 = tpu.memref_squeeze %dma_wait3A_74 : memref<1x1x8192xf32, #tpu.memory_space<hbm>> -> memref<8192xf32, #tpu.memory_space<hbm>>
      tpu.wait_dma2 semaphore(%run_scoped3A_69 : memref<!tpu.dma_semaphore, #tpu.memory_space<semaphore_mem>>) src(%dma_wait3A_75 : memref<8192xf32, #tpu.memory_space<hbm>>) dst(%arg9 : memref<8192xf32, #tpu.memory_space<vmem>>)
      tpu.yield
    }) : () -> ()
    "tpu.region"() ({
      %run_scoped3A_69 = tpu.sem_alloc : memref<!tpu.dma_semaphore, #tpu.memory_space<semaphore_mem>>
      %dma_start3A = tpu.memref_slice %arg3[%select_n3A, %mul3A_50] : memref<8x32768xf32, #tpu.memory_space<hbm>> -> memref<1x8192xf32, #tpu.memory_space<hbm>>
      %dma_start3A_70 = tpu.memref_squeeze %dma_start3A : memref<1x8192xf32, #tpu.memory_space<hbm>> -> memref<8192xf32, #tpu.memory_space<hbm>>
      %dma_start3A_71 = tpu.memref_slice %arg3[%select_n3A, %mul3A_50] : memref<8x32768xf32, #tpu.memory_space<hbm>> -> memref<1x8192xf32, #tpu.memory_space<hbm>>
      %dma_start3A_72 = tpu.memref_squeeze %dma_start3A_71 : memref<1x8192xf32, #tpu.memory_space<hbm>> -> memref<8192xf32, #tpu.memory_space<hbm>>
      tpu.enqueue_dma source(%dma_start3A_72 : memref<8192xf32, #tpu.memory_space<hbm>>) target(%arg10 : memref<8192xf32, #tpu.memory_space<vmem>>) target_semaphore(%run_scoped3A_69 : memref<!tpu.dma_semaphore, #tpu.memory_space<semaphore_mem>>)
      %dma_wait3A = tpu.memref_slice %arg3[%select_n3A, %mul3A_50] : memref<8x32768xf32, #tpu.memory_space<hbm>> -> memref<1x8192xf32, #tpu.memory_space<hbm>>
      %dma_wait3A_73 = tpu.memref_squeeze %dma_wait3A : memref<1x8192xf32, #tpu.memory_space<hbm>> -> memref<8192xf32, #tpu.memory_space<hbm>>
      %dma_wait3A_74 = tpu.memref_slice %arg3[%select_n3A, %mul3A_50] : memref<8x32768xf32, #tpu.memory_space<hbm>> -> memref<1x8192xf32, #tpu.memory_space<hbm>>
      %dma_wait3A_75 = tpu.memref_squeeze %dma_wait3A_74 : memref<1x8192xf32, #tpu.memory_space<hbm>> -> memref<8192xf32, #tpu.memory_space<hbm>>
      tpu.wait_dma2 semaphore(%run_scoped3A_69 : memref<!tpu.dma_semaphore, #tpu.memory_space<semaphore_mem>>) src(%dma_wait3A_75 : memref<8192xf32, #tpu.memory_space<hbm>>) dst(%arg10 : memref<8192xf32, #tpu.memory_space<vmem>>)
      tpu.yield
    }) : () -> ()
    "tpu.region"() ({
      %run_scoped3A_69 = tpu.sem_alloc : memref<!tpu.dma_semaphore, #tpu.memory_space<semaphore_mem>>
      %dma_start3A = arith.constant 0 : i32
      %dma_start3A_70 = tpu.memref_slice %arg4[%select_n3A, %dma_start3A] : memref<8x2048xf32, #tpu.memory_space<hbm>> -> memref<1x2048xf32, #tpu.memory_space<hbm>>
      %dma_start3A_71 = tpu.memref_squeeze %dma_start3A_70 : memref<1x2048xf32, #tpu.memory_space<hbm>> -> memref<2048xf32, #tpu.memory_space<hbm>>
      %dma_start3A_72 = arith.constant 0 : i32
      %dma_start3A_73 = tpu.memref_slice %arg4[%select_n3A, %dma_start3A_72] : memref<8x2048xf32, #tpu.memory_space<hbm>> -> memref<1x2048xf32, #tpu.memory_space<hbm>>
      %dma_start3A_74 = tpu.memref_squeeze %dma_start3A_73 : memref<1x2048xf32, #tpu.memory_space<hbm>> -> memref<2048xf32, #tpu.memory_space<hbm>>
      tpu.enqueue_dma source(%dma_start3A_74 : memref<2048xf32, #tpu.memory_space<hbm>>) target(%arg11 : memref<2048xf32, #tpu.memory_space<vmem>>) target_semaphore(%run_scoped3A_69 : memref<!tpu.dma_semaphore, #tpu.memory_space<semaphore_mem>>)
      %dma_wait3A = arith.constant 0 : i32
      %dma_wait3A_75 = tpu.memref_slice %arg4[%select_n3A, %dma_wait3A] : memref<8x2048xf32, #tpu.memory_space<hbm>> -> memref<1x2048xf32, #tpu.memory_space<hbm>>
      %dma_wait3A_76 = tpu.memref_squeeze %dma_wait3A_75 : memref<1x2048xf32, #tpu.memory_space<hbm>> -> memref<2048xf32, #tpu.memory_space<hbm>>
      %dma_wait3A_77 = arith.constant 0 : i32
      %dma_wait3A_78 = tpu.memref_slice %arg4[%select_n3A, %dma_wait3A_77] : memref<8x2048xf32, #tpu.memory_space<hbm>> -> memref<1x2048xf32, #tpu.memory_space<hbm>>
      %dma_wait3A_79 = tpu.memref_squeeze %dma_wait3A_78 : memref<1x2048xf32, #tpu.memory_space<hbm>> -> memref<2048xf32, #tpu.memory_space<hbm>>
      tpu.wait_dma2 semaphore(%run_scoped3A_69 : memref<!tpu.dma_semaphore, #tpu.memory_space<semaphore_mem>>) src(%dma_wait3A_79 : memref<2048xf32, #tpu.memory_space<hbm>>) dst(%arg11 : memref<2048xf32, #tpu.memory_space<vmem>>)
      tpu.yield
    }) : () -> ()
    %broadcast_in_dim3A = arith.constant 0.000000e+00 : f32
    %broadcast_in_dim3A_54 = vector.broadcast %broadcast_in_dim3A : f32 to vector<16xf32>
    %parallel_loop3A = arith.constant 0 : i32
    %parallel_loop3A_55 = arith.constant 128 : i32
    %parallel_loop3A_56 = arith.constant 1 : i32
    scf.for %parallel_loop3A_69 = %parallel_loop3A to %parallel_loop3A_55 step %parallel_loop3A_56  : i32 {
      %parallel_loop3A_70 = arith.constant 16 : i32
      %parallel_loop3A_71 = arith.muli %parallel_loop3A_69, %parallel_loop3A_70 : i32
      %parallel_loop3A_72 = tpu.assume_multiple %parallel_loop3A_71, 16 : i32
      %parallel_loop3A_73 = arith.index_cast %parallel_loop3A_72 : i32 to index
      %parallel_loop3A_74 = tpu.vector_load %arg12[%parallel_loop3A_73] {strides = array<i32>} : memref<2048xf32, #tpu.memory_space<vmem>>, vector<16xf32>,
      tpu.vector_store %arg12[%parallel_loop3A_73], %broadcast_in_dim3A_54 {strides = array<i32>} : memref<2048xf32, #tpu.memory_space<vmem>>, vector<16xf32>,
    } {sc.loop_unroll_factor = 4 : i64, sc.parallel_access}
    %broadcast_in_dim3A_57 = arith.constant 1 : i32
    %broadcast_in_dim3A_58 = vector.broadcast %broadcast_in_dim3A_57 : i32 to vector<16xi32>
    %broadcast_in_dim3A_59 = arith.constant 0 : i32
    %broadcast_in_dim3A_60 = vector.broadcast %broadcast_in_dim3A_59 : i32 to vector<16xi32>
    %broadcast_in_dim3A_61 = arith.constant 0.000000e+00 : f32
    %broadcast_in_dim3A_62 = vector.broadcast %broadcast_in_dim3A_61 : f32 to vector<16xf32>
    %parallel_loop3A_63 = arith.constant 0 : i32
    %parallel_loop3A_64 = arith.constant 512 : i32
    %parallel_loop3A_65 = arith.constant 1 : i32
    scf.for %parallel_loop3A_69 = %parallel_loop3A_63 to %parallel_loop3A_64 step %parallel_loop3A_65  : i32 {
      %parallel_loop3A_70 = arith.constant 16 : i32
      %parallel_loop3A_71 = arith.muli %parallel_loop3A_69, %parallel_loop3A_70 : i32
      %parallel_loop3A_72 = tpu.assume_multiple %parallel_loop3A_71, 16 : i32
      %parallel_loop3A_73 = arith.index_cast %parallel_loop3A_72 : i32 to index
      %parallel_loop3A_74 = tpu.vector_load %arg6[%parallel_loop3A_73] {strides = array<i32>} : memref<8192xf32, #tpu.memory_space<vmem>>, vector<16xf32>,
      %parallel_loop3A_75 = arith.index_cast %parallel_loop3A_72 : i32 to index
      %parallel_loop3A_76 = tpu.vector_load %arg7[%parallel_loop3A_75] {strides = array<i32>} : memref<8192xf32, #tpu.memory_space<vmem>>, vector<16xf32>,
      %parallel_loop3A_77 = arith.index_cast %parallel_loop3A_72 : i32 to index
      %parallel_loop3A_78 = tpu.vector_load %arg8[%parallel_loop3A_77] {strides = array<i32>} : memref<8192xf32, #tpu.memory_space<vmem>>, vector<16xf32>,
      %parallel_loop3A_79 = arith.index_cast %parallel_loop3A_72 : i32 to index
      %parallel_loop3A_80 = tpu.vector_load %arg9[%parallel_loop3A_79] {strides = array<i32>} : memref<8192xf32, #tpu.memory_space<vmem>>, vector<16xf32>,
      %parallel_loop3A_81 = arith.index_cast %parallel_loop3A_72 : i32 to index
      %parallel_loop3A_82 = tpu.vector_load %arg10[%parallel_loop3A_81] {strides = array<i32>} : memref<8192xf32, #tpu.memory_space<vmem>>, vector<16xf32>,
      %parallel_loop3A_83 = arith.fptosi %parallel_loop3A_74 : vector<16xf32> to vector<16xi32>
      %parallel_loop3A_84 = arith.sitofp %parallel_loop3A_83 : vector<16xi32> to vector<16xf32>
      %parallel_loop3A_85 = arith.fptosi %parallel_loop3A_76 : vector<16xf32> to vector<16xi32>
      %parallel_loop3A_86 = arith.sitofp %parallel_loop3A_85 : vector<16xi32> to vector<16xf32>
      %parallel_loop3A_87 = arith.subf %parallel_loop3A_74, %parallel_loop3A_84 : vector<16xf32>
      %parallel_loop3A_88 = arith.subf %parallel_loop3A_76, %parallel_loop3A_86 : vector<16xf32>
      %parallel_loop3A_89 = arith.constant 0.000000e+00 : f32
      %parallel_loop3A_90 = vector.broadcast %parallel_loop3A_89 : f32 to vector<16xf32>
      %parallel_loop3A_91 = arith.cmpf ogt, %parallel_loop3A_87, %parallel_loop3A_90 : vector<16xf32>
      %parallel_loop3A_92 = arith.constant 0.000000e+00 : f32
      %parallel_loop3A_93 = vector.broadcast %parallel_loop3A_92 : f32 to vector<16xf32>
      %parallel_loop3A_94 = arith.cmpf ogt, %parallel_loop3A_88, %parallel_loop3A_93 : vector<16xf32>
      %parallel_loop3A_95 = arith.constant 0.707106769 : f32
      %parallel_loop3A_96 = vector.broadcast %parallel_loop3A_95 : f32 to vector<16xf32>
      %parallel_loop3A_97 = arith.divf %parallel_loop3A_96, %parallel_loop3A_78 : vector<16xf32>
      %parallel_loop3A_98 = arith.constant 0.707106769 : f32
      %parallel_loop3A_99 = vector.broadcast %parallel_loop3A_98 : f32 to vector<16xf32>
      %parallel_loop3A_100 = arith.divf %parallel_loop3A_99, %parallel_loop3A_80 : vector<16xf32>
      %parallel_loop3A_101 = arith.mulf %parallel_loop3A_87, %parallel_loop3A_97 : vector<16xf32>
      %parallel_loop3A_102 = arith.mulf %parallel_loop3A_88, %parallel_loop3A_100 : vector<16xf32>
      %parallel_loop3A_103 = arith.subf %parallel_loop3A_97, %parallel_loop3A_101 : vector<16xf32>
      %parallel_loop3A_104 = arith.select %parallel_loop3A_91, %parallel_loop3A_103, %broadcast_in_dim3A_62 : vector<16xi1>, vector<16xf32>
      %parallel_loop3A_105 = arith.subf %parallel_loop3A_100, %parallel_loop3A_102 : vector<16xf32>
      %parallel_loop3A_106 = arith.select %parallel_loop3A_94, %parallel_loop3A_105, %broadcast_in_dim3A_62 : vector<16xi1>, vector<16xf32>
      %parallel_loop3A_107 = arith.mulf %parallel_loop3A_101, %parallel_loop3A_101 : vector<16xf32>
      %parallel_loop3A_108 = arith.constant 0.000000e+00 : f32
      %parallel_loop3A_109 = vector.broadcast %parallel_loop3A_108 : f32 to vector<16xf32>
      %parallel_loop3A_110 = arith.subf %parallel_loop3A_109, %parallel_loop3A_107 : vector<16xf32>
      %parallel_loop3A_111 = math.exp %parallel_loop3A_110 : vector<16xf32>
      %parallel_loop3A_112 = arith.mulf %parallel_loop3A_104, %parallel_loop3A_104 : vector<16xf32>
      %parallel_loop3A_113 = arith.constant 0.000000e+00 : f32
      %parallel_loop3A_114 = vector.broadcast %parallel_loop3A_113 : f32 to vector<16xf32>
      %parallel_loop3A_115 = arith.subf %parallel_loop3A_114, %parallel_loop3A_112 : vector<16xf32>
      %parallel_loop3A_116 = math.exp %parallel_loop3A_115 : vector<16xf32>
      %parallel_loop3A_117 = arith.mulf %parallel_loop3A_102, %parallel_loop3A_102 : vector<16xf32>
      %parallel_loop3A_118 = arith.constant 0.000000e+00 : f32
      %parallel_loop3A_119 = vector.broadcast %parallel_loop3A_118 : f32 to vector<16xf32>
      %parallel_loop3A_120 = arith.subf %parallel_loop3A_119, %parallel_loop3A_117 : vector<16xf32>
      %parallel_loop3A_121 = math.exp %parallel_loop3A_120 : vector<16xf32>
      %parallel_loop3A_122 = arith.mulf %parallel_loop3A_106, %parallel_loop3A_106 : vector<16xf32>
      %parallel_loop3A_123 = arith.constant 0.000000e+00 : f32
      %parallel_loop3A_124 = vector.broadcast %parallel_loop3A_123 : f32 to vector<16xf32>
      %parallel_loop3A_125 = arith.subf %parallel_loop3A_124, %parallel_loop3A_122 : vector<16xf32>
      %parallel_loop3A_126 = math.exp %parallel_loop3A_125 : vector<16xf32>
      %parallel_loop3A_127 = arith.addf %parallel_loop3A_111, %parallel_loop3A_116 : vector<16xf32>
      %parallel_loop3A_128 = arith.addf %parallel_loop3A_121, %parallel_loop3A_126 : vector<16xf32>
      %parallel_loop3A_129 = arith.mulf %parallel_loop3A_127, %parallel_loop3A_128 : vector<16xf32>
      %parallel_loop3A_130 = arith.constant 4.000000e-06 : f32
      %parallel_loop3A_131 = vector.broadcast %parallel_loop3A_130 : f32 to vector<16xf32>
      %parallel_loop3A_132 = arith.addf %parallel_loop3A_129, %parallel_loop3A_131 : vector<16xf32>
      %parallel_loop3A_133 = arith.divf %parallel_loop3A_82, %parallel_loop3A_132 : vector<16xf32>
      %parallel_loop3A_134 = arith.select %parallel_loop3A_91, %broadcast_in_dim3A_58, %broadcast_in_dim3A_60 : vector<16xi1>, vector<16xi32>
      %parallel_loop3A_135 = arith.addi %parallel_loop3A_83, %parallel_loop3A_134 : vector<16xi32>
      %parallel_loop3A_136 = arith.select %parallel_loop3A_94, %broadcast_in_dim3A_58, %broadcast_in_dim3A_60 : vector<16xi1>, vector<16xi32>
      %parallel_loop3A_137 = arith.addi %parallel_loop3A_85, %parallel_loop3A_136 : vector<16xi32>
      %parallel_loop3A_138 = tpu.vector_load_idx %arg11[%parallel_loop3A_85] : memref<2048xf32, #tpu.memory_space<vmem>>[vector<16xi32>], vector<16xf32>,
      %parallel_loop3A_139 = tpu.vector_load_idx %arg11[%parallel_loop3A_137] : memref<2048xf32, #tpu.memory_space<vmem>>[vector<16xi32>], vector<16xf32>,
      %parallel_loop3A_140 = arith.mulf %parallel_loop3A_121, %parallel_loop3A_138 : vector<16xf32>
      %parallel_loop3A_141 = arith.mulf %parallel_loop3A_126, %parallel_loop3A_139 : vector<16xf32>
      %parallel_loop3A_142 = arith.addf %parallel_loop3A_140, %parallel_loop3A_141 : vector<16xf32>
      %parallel_loop3A_143 = arith.mulf %parallel_loop3A_133, %parallel_loop3A_142 : vector<16xf32>
      %parallel_loop3A_144 = arith.mulf %parallel_loop3A_111, %parallel_loop3A_143 : vector<16xf32>
      tpu.vector_store_idx %arg12[%parallel_loop3A_83], %parallel_loop3A_144 {add = true} : memref<2048xf32, #tpu.memory_space<vmem>>[vector<16xi32>], vector<16xf32>,
      %parallel_loop3A_145 = arith.mulf %parallel_loop3A_116, %parallel_loop3A_143 : vector<16xf32>
      tpu.vector_store_idx %arg12[%parallel_loop3A_135], %parallel_loop3A_145 {add = true} : memref<2048xf32, #tpu.memory_space<vmem>>[vector<16xi32>], vector<16xf32>,
    } {sc.loop_unroll_factor = 3 : i64, sc.parallel_access}
    %mul3A_66 = arith.constant 2048 : i32
    %mul3A_67 = arith.muli %arg1, %mul3A_66 : i32
    "tpu.region"() ({
      %run_scoped3A_69 = tpu.sem_alloc : memref<!tpu.dma_semaphore, #tpu.memory_space<semaphore_mem>>
      %dma_start3A = tpu.memref_slice %arg14[%mul3A_67] : memref<32768xf32, #tpu.memory_space<vmem_shared>> -> memref<2048xf32, #tpu.memory_space<vmem_shared>>
      %dma_start3A_70 = tpu.memref_slice %arg14[%mul3A_67] : memref<32768xf32, #tpu.memory_space<vmem_shared>> -> memref<2048xf32, #tpu.memory_space<vmem_shared>>
      tpu.enqueue_dma source(%arg12 : memref<2048xf32, #tpu.memory_space<vmem>>) target(%dma_start3A_70 : memref<2048xf32, #tpu.memory_space<vmem_shared>>) target_semaphore(%run_scoped3A_69 : memref<!tpu.dma_semaphore, #tpu.memory_space<semaphore_mem>>)
      %dma_wait3A = tpu.memref_slice %arg14[%mul3A_67] : memref<32768xf32, #tpu.memory_space<vmem_shared>> -> memref<2048xf32, #tpu.memory_space<vmem_shared>>
      %dma_wait3A_71 = tpu.memref_slice %arg14[%mul3A_67] : memref<32768xf32, #tpu.memory_space<vmem_shared>> -> memref<2048xf32, #tpu.memory_space<vmem_shared>>
      tpu.wait_dma2 semaphore(%run_scoped3A_69 : memref<!tpu.dma_semaphore, #tpu.memory_space<semaphore_mem>>) src(%arg12 : memref<2048xf32, #tpu.memory_space<vmem>>) dst(%dma_wait3A_71 : memref<2048xf32, #tpu.memory_space<vmem_shared>>)
      tpu.yield
    }) : () -> ()
    %barrier3A = arith.constant 0 : index
    tpu.barrier barrier_id(%barrier3A)
    %convert_element_type3A = arith.extui %eq3A_32 : i1 to i32
    %cond3A = arith.constant 0 : i32
    %cond3A_68 = arith.cmpi ne, %convert_element_type3A, %cond3A : i32
    scf.if %cond3A_68 {
      %mul3A_69 = arith.constant 2048 : i32
      %mul3A_70 = arith.muli %arg1, %mul3A_69 : i32
      "tpu.region"() ({
        %run_scoped3A_74 = tpu.sem_alloc : memref<!tpu.dma_semaphore, #tpu.memory_space<semaphore_mem>>
        %dma_start3A = tpu.memref_slice %arg14[%mul3A_70] : memref<32768xf32, #tpu.memory_space<vmem_shared>> -> memref<8192xf32, #tpu.memory_space<vmem_shared>>
        %dma_start3A_75 = tpu.memref_slice %arg14[%mul3A_70] : memref<32768xf32, #tpu.memory_space<vmem_shared>> -> memref<8192xf32, #tpu.memory_space<vmem_shared>>
        tpu.enqueue_dma source(%dma_start3A_75 : memref<8192xf32, #tpu.memory_space<vmem_shared>>) target(%arg13 : memref<8192xf32, #tpu.memory_space<vmem>>) target_semaphore(%run_scoped3A_74 : memref<!tpu.dma_semaphore, #tpu.memory_space<semaphore_mem>>)
        %dma_wait3A = tpu.memref_slice %arg14[%mul3A_70] : memref<32768xf32, #tpu.memory_space<vmem_shared>> -> memref<8192xf32, #tpu.memory_space<vmem_shared>>
        %dma_wait3A_76 = tpu.memref_slice %arg14[%mul3A_70] : memref<32768xf32, #tpu.memory_space<vmem_shared>> -> memref<8192xf32, #tpu.memory_space<vmem_shared>>
        tpu.wait_dma2 semaphore(%run_scoped3A_74 : memref<!tpu.dma_semaphore, #tpu.memory_space<semaphore_mem>>) src(%dma_wait3A_76 : memref<8192xf32, #tpu.memory_space<vmem_shared>>) dst(%arg13 : memref<8192xf32, #tpu.memory_space<vmem>>)
        tpu.yield
      }) : () -> ()
      %parallel_loop3A_71 = arith.constant 0 : i32
      %parallel_loop3A_72 = arith.constant 128 : i32
      %parallel_loop3A_73 = arith.constant 1 : i32
      scf.for %parallel_loop3A_74 = %parallel_loop3A_71 to %parallel_loop3A_72 step %parallel_loop3A_73  : i32 {
        %parallel_loop3A_75 = arith.constant 16 : i32
        %parallel_loop3A_76 = arith.muli %parallel_loop3A_74, %parallel_loop3A_75 : i32
        %parallel_loop3A_77 = tpu.assume_multiple %parallel_loop3A_76, 16 : i32
        %parallel_loop3A_78 = arith.index_cast %parallel_loop3A_77 : i32 to index
        %parallel_loop3A_79 = tpu.vector_load %arg13[%parallel_loop3A_78] {strides = array<i32>} : memref<8192xf32, #tpu.memory_space<vmem>>, vector<16xf32>,
        %parallel_loop3A_80 = arith.constant 2048 : i32
        %parallel_loop3A_81 = arith.addi %parallel_loop3A_77, %parallel_loop3A_80 : i32
        %parallel_loop3A_82 = arith.index_cast %parallel_loop3A_81 : i32 to index
        %parallel_loop3A_83 = tpu.vector_load %arg13[%parallel_loop3A_82] {strides = array<i32>} : memref<8192xf32, #tpu.memory_space<vmem>>, vector<16xf32>,
        %parallel_loop3A_84 = arith.addf %parallel_loop3A_79, %parallel_loop3A_83 : vector<16xf32>
        %parallel_loop3A_85 = arith.constant 4096 : i32
        %parallel_loop3A_86 = arith.addi %parallel_loop3A_77, %parallel_loop3A_85 : i32
        %parallel_loop3A_87 = arith.index_cast %parallel_loop3A_86 : i32 to index
        %parallel_loop3A_88 = tpu.vector_load %arg13[%parallel_loop3A_87] {strides = array<i32>} : memref<8192xf32, #tpu.memory_space<vmem>>, vector<16xf32>,
        %parallel_loop3A_89 = arith.constant 6144 : i32
        %parallel_loop3A_90 = arith.addi %parallel_loop3A_77, %parallel_loop3A_89 : i32
        %parallel_loop3A_91 = arith.index_cast %parallel_loop3A_90 : i32 to index
        %parallel_loop3A_92 = tpu.vector_load %arg13[%parallel_loop3A_91] {strides = array<i32>} : memref<8192xf32, #tpu.memory_space<vmem>>, vector<16xf32>,
        %parallel_loop3A_93 = arith.addf %parallel_loop3A_88, %parallel_loop3A_92 : vector<16xf32>
        %parallel_loop3A_94 = arith.addf %parallel_loop3A_84, %parallel_loop3A_93 : vector<16xf32>
        %parallel_loop3A_95 = arith.index_cast %parallel_loop3A_77 : i32 to index
        %parallel_loop3A_96 = tpu.vector_load %arg12[%parallel_loop3A_95] {strides = array<i32>} : memref<2048xf32, #tpu.memory_space<vmem>>, vector<16xf32>,
        tpu.vector_store %arg12[%parallel_loop3A_95], %parallel_loop3A_94 {strides = array<i32>} : memref<2048xf32, #tpu.memory_space<vmem>>, vector<16xf32>,
      } {sc.loop_unroll_factor = 4 : i64, sc.parallel_access}
      "tpu.region"() ({
        %run_scoped3A_74 = tpu.sem_alloc : memref<!tpu.dma_semaphore, #tpu.memory_space<semaphore_mem>>
        %dma_start3A = arith.constant 0 : i32
        %dma_start3A_75 = tpu.memref_slice %arg5[%select_n3A, %dma_start3A] : memref<8x2048xf32, #tpu.memory_space<hbm>> -> memref<1x2048xf32, #tpu.memory_space<hbm>>
        %dma_start3A_76 = tpu.memref_squeeze %dma_start3A_75 : memref<1x2048xf32, #tpu.memory_space<hbm>> -> memref<2048xf32, #tpu.memory_space<hbm>>
        %dma_start3A_77 = arith.constant 0 : i32
        %dma_start3A_78 = tpu.memref_slice %arg5[%select_n3A, %dma_start3A_77] : memref<8x2048xf32, #tpu.memory_space<hbm>> -> memref<1x2048xf32, #tpu.memory_space<hbm>>
        %dma_start3A_79 = tpu.memref_squeeze %dma_start3A_78 : memref<1x2048xf32, #tpu.memory_space<hbm>> -> memref<2048xf32, #tpu.memory_space<hbm>>
        tpu.enqueue_dma source(%arg12 : memref<2048xf32, #tpu.memory_space<vmem>>) target(%dma_start3A_79 : memref<2048xf32, #tpu.memory_space<hbm>>) target_semaphore(%run_scoped3A_74 : memref<!tpu.dma_semaphore, #tpu.memory_space<semaphore_mem>>)
        %dma_wait3A = arith.constant 0 : i32
        %dma_wait3A_80 = tpu.memref_slice %arg5[%select_n3A, %dma_wait3A] : memref<8x2048xf32, #tpu.memory_space<hbm>> -> memref<1x2048xf32, #tpu.memory_space<hbm>>
        %dma_wait3A_81 = tpu.memref_squeeze %dma_wait3A_80 : memref<1x2048xf32, #tpu.memory_space<hbm>> -> memref<2048xf32, #tpu.memory_space<hbm>>
        %dma_wait3A_82 = arith.constant 0 : i32
        %dma_wait3A_83 = tpu.memref_slice %arg5[%select_n3A, %dma_wait3A_82] : memref<8x2048xf32, #tpu.memory_space<hbm>> -> memref<1x2048xf32, #tpu.memory_space<hbm>>
        %dma_wait3A_84 = tpu.memref_squeeze %dma_wait3A_83 : memref<1x2048xf32, #tpu.memory_space<hbm>> -> memref<2048xf32, #tpu.memory_space<hbm>>
        tpu.wait_dma2 semaphore(%run_scoped3A_74 : memref<!tpu.dma_semaphore, #tpu.memory_space<semaphore_mem>>) src(%arg12 : memref<2048xf32, #tpu.memory_space<vmem>>) dst(%dma_wait3A_84 : memref<2048xf32, #tpu.memory_space<hbm>>)
        tpu.yield
      }) : () -> ()
    } else {
    }
    return
  }
}

</mosaic_0001>

<sc_bundles>
// kernel: kernel.3.cloned.1.call-start
scs
__scs_entry_jumppad:
0x0: {  	(pc) =	sbr.rel $0x88, $3  }
0x1: {  	(tag) =	ssettag $0x0;
	lr =	simm.s32 $0x1  }
0x2: {  	[smem:$0x3F9D] =	sst lr;
	_ =	strace $0xD0000000  }
0x3: {  	_ = 	snop  }
0x4: {  	_ = 	snop  }
0x5: {  	_ = 	snop  }
0x6: {  	_ = 	snop  }
0x7: {  	_ = 	snop  }
__scs_overlays_trampoline_lowered:
0x8: {  	[smem:$0x3FAC] =	sst s0  }
0x9: {  	[smem:$0x3FAD] =	sst s1  }
0xa: {  	[smem:$0x3FAE] =	sst s2  }
0xb: {  	[smem:$0x3FAF] =	sst s3  }
0xc: {  	[smem:$0x3FB0] =	sst s4  }
0xd: {  	[smem:$0x3FB1] =	sst s5  }
0xe: {  	[smem:$0x3FB2] =	sst s6  }
0xf: {  	[smem:$0x3FB3] =	sst s7  }
0x10: {  	[smem:$0x3FB4] =	sst s8  }
0x11: {  	[smem:$0x3FB5] =	sst s9;
	s0 =	simm.s32 @!p0 $0x0  }
0x12: {  	s1 =	sld [smem:$0x3F9B];
	s0 =	simm.s32 @p0 $0x1  }
0x13: {  	[smem:$0x3FB6] =	sst s0;
	s0 =	simm.s32 @!p1 $0x0  }
0x14: {  	s2 =	sld [smem:$0x3F9A];
	s0 =	simm.s32 @p1 $0x1  }
0x15: {  	[smem:$0x3FB7] =	sst s0;
	s0 =	simm.s32 @!p2 $0x0  }
0x16: {  	s3 =	sld [smem:$0x3FDB];
	s0 =	simm.s32 @p2 $0x1  }
0x17: {  	s4 =	simm.s32 $0x1BF5;
	[smem:$0x3FB9] =	sst s0  }
0x18: {  	s0 =	sld [smem:$0x3F9C];
	_ =	swait.ge [sflag:s4], $0x0  }
0x19: {  	s7 =	sld [smem:$0x3F9D]  }
0x1a: {  	s8 =	sadd.s32 $0xFFFFE003, lr  }
0x1b: {  	s9 =	sadd.s32 $0xFFFFFEF7, lr;
	s5 =	simm.s32 $0xFFFFFFFF;
	p2 =	slt.u32 s8, $0xFFFFF086  }
0x1c: {  	p1 =	slt.u32 s9, $0xF7A;
	s5 =	simm.s32 @!p2 $0x0  }
0x1d: {  	s5 =	simm.s32 @p1 $0x1;
	p0 =	seq.s32 s7, s2  }
0x1e: {  	s7 =	smul.u32 @!p0 $0xF7A, s2;
	p2 =	seq.s32 @!p0 s5, $0x0  }
0x1f: {  	s9 =	smul.u32 $0xF7A, s1;
	s8 =	simm.s32 @!p0 $0x1BF5;
	p2 =	por !p2, p0  }
0x20: {  	[sflag:s8] =	ssyncset.s32 @!p0 $0xFFFFF086;
	s6 =	sadd.s32 @!p0 s3, s7;
	s7 =	simm.s32 @!p0 $0x108  }
0x21: {  	s3 =	sadd.s32 s3, s9;
	s6 =	sadd.s32 @!p0 $0x88, s6;
	s7 =	simm.s32 @p2 $0x1082  }
0x22: {  	[simem:s7], [sflag:s8] =	dma.local @!p0 [hbm:s6], $0xF7A  }
0x23: {  	s9 =	sor.u32 $0xD0000000, s2;
	s6 =	simm.s32 $0x108;
	_ =	swait.ge @!p0 [sflag:s8], $0x0  }
0x24: {  	s3 =	sadd.s32 $0x88, s3;
	s6 =	simm.s32 @!p1 $0x1082;
	[sflag:s4] =	ssyncset.s32 $0xFFFFF086  }
0x25: {  	[simem:s6], [sflag:s4] =	dma.local [hbm:s3], $0xF7A  }
0x26: {  	[smem:$0x3F9D] =	sst s1;
	(tag) =	ssettag s2;
	_ =	strace s9  }
0x27: {  	s1 =	sld [smem:$0x3FAD]  }
0x28: {  	s2 =	sld [smem:$0x3FAE]  }
0x29: {  	s4 =	sld [smem:$0x3FB0]  }
0x2a: {  	p0 =	seq.s32 s5, $0x0;
	s5 =	sld [smem:$0x3FB1]  }
0x2b: {  	s6 =	sld [smem:$0x3FB2]  }
0x2c: {  	s7 =	sld [smem:$0x3FB3]  }
0x2d: {  	s3 =	simm.s32 $0x108;
	s8 =	sld [smem:$0x3FB4]  }
0x2e: {  	s3 =	simm.s32 @!p0 $0x1082;
	s9 =	sld [smem:$0x3FB5]  }
0x2f: {  	lr =	sadd.s32 s0, s3;
	s0 =	sld [smem:$0x3FAC]  }
0x30: {  	s3 =	sld [smem:$0x3FAF]  }
0x31: {  	[smem:$0x3FB8] =	sst s10  }
0x32: {  	s10 =	sld [smem:$0x3FB6];
	_ =	sdelay $0x3  }
0x33: {  	p0 =	seq.s32 s10, $0x1;
	s10 =	sld [smem:$0x3FB8];
	_ =	sdelay $0x3  }
0x34: {  	[smem:$0x3FB8] =	sst s10  }
0x35: {  	s10 =	sld [smem:$0x3FB7];
	_ =	sdelay $0x3  }
0x36: {  	p1 =	seq.s32 s10, $0x1;
	s10 =	sld [smem:$0x3FB8];
	_ =	sdelay $0x3  }
0x37: {  	[smem:$0x3FB8] =	sst s10  }
0x38: {  	s10 =	sld [smem:$0x3FB9]  }
0x39: {  	_ = 	snop;
	(pc) =	sbr.ind lr, $3  }
0x3a: {  	_ = 	snop  }
0x3b: {  	_ = 	snop  }
0x3c: {  	p2 =	seq.s32 s10, $0x1;
	s10 =	sld [smem:$0x3FB8]  }
0x3d: {  	_ =	shalt  }
0x3e: {  	_ =	shalt  }
0x3f: {  	_ =	shalt  }
0x40: {  	_ =	shalt  }
0x41: {  	_ =	shalt  }
0x42: {  	_ =	shalt  }
0x43: {  	_ =	shalt  }
0x44: {  	_ =	shalt  }
0x45: {  	_ =	shalt  }
0x46: {  	_ =	shalt  }
0x47: {  	_ =	shalt  }
0x48: {  	_ =	shalt  }
0x49: {  	_ =	shalt  }
0x4a: {  	_ =	shalt  }
0x4b: {  	_ =	shalt  }
0x4c: {  	_ =	shalt  }
0x4d: {  	_ =	shalt  }
0x4e: {  	_ =	shalt  }
0x4f: {  	_ =	shalt  }
0x50: {  	_ =	shalt  }
0x51: {  	_ =	shalt  }
0x52: {  	_ =	shalt  }
0x53: {  	_ =	shalt  }
0x54: {  	_ =	shalt  }
0x55: {  	_ =	shalt  }
0x56: {  	_ =	shalt  }
0x57: {  	_ =	shalt  }
0x58: {  	_ =	shalt  }
0x59: {  	_ =	shalt  }
0x5a: {  	_ =	shalt  }
0x5b: {  	_ =	shalt  }
0x5c: {  	_ =	shalt  }
0x5d: {  	_ =	shalt  }
0x5e: {  	_ =	shalt  }
0x5f: {  	_ =	shalt  }
0x60: {  	_ =	shalt  }
0x61: {  	_ =	shalt  }
0x62: {  	_ =	shalt  }
0x63: {  	_ =	shalt  }
0x64: {  	_ =	shalt  }
0x65: {  	_ =	shalt  }
0x66: {  	_ =	shalt  }
0x67: {  	_ =	shalt  }
0x68: {  	_ =	shalt  }
0x69: {  	_ =	shalt  }
0x6a: {  	_ =	shalt  }
0x6b: {  	_ =	shalt  }
0x6c: {  	_ =	shalt  }
0x6d: {  	_ =	shalt  }
0x6e: {  	_ =	shalt  }
0x6f: {  	_ =	shalt  }
0x70: {  	_ =	shalt  }
0x71: {  	_ =	shalt  }
0x72: {  	_ =	shalt  }
0x73: {  	_ =	shalt  }
0x74: {  	_ =	shalt  }
0x75: {  	_ =	shalt  }
0x76: {  	_ =	shalt  }
0x77: {  	_ =	shalt  }
0x78: {  	_ =	shalt  }
0x79: {  	_ =	shalt  }
0x7a: {  	_ =	shalt  }
0x7b: {  	_ =	shalt  }
0x7c: {  	_ =	shalt  }
0x7d: {  	_ =	shalt  }
0x7e: {  	_ =	shalt  }
0x7f: {  	_ =	shalt  }
0x80: {  	_ =	shalt  }
0x81: {  	_ =	shalt  }
0x82: {  	_ =	shalt  }
0x83: {  	_ =	shalt  }
0x84: {  	_ =	shalt  }
0x85: {  	_ =	shalt  }
0x86: {  	_ =	shalt  }
0x87: {  	_ =	shalt  }
.Lfunc_end0:
.L_simem_size_0:
called_computation_lowered:
.L_overlay_start_0:
0x88: {  	s2 =	sld [smem:$0x3FD9]  }
0x89: {  	s3 =	sld [smem:$0x3FFE];
	_ =	sdelay $0x1  }
0x8a: {  	s1 =	srdreg.scid  }
0x8b: {  	s0 =	sand.u32 $0x1, s1  }
0x8c: {  	s17 =	sshll.u32 s0, $0xA;
	s2 =	sadd.s32 s3, s2  }
0x8d: {  	s2 =	sadd.s32 s2, s17  }
0x8e: {  	[smem:$0x3FC4] =	sst s2  }
0x8f: {  	_ = 	snop  }
0x90: {  	s2 =	sld [smem:$0x3FC7]  }
0x91: {  	s18 =	sld [smem:$0x3FC6]  }
0x92: {  	s4 =	sld [smem:$0x3FD0];
	(tm) =	ssettm $0x1  }
0x93: {  	s5 =	sld [smem:$0x3FFB];
	_ =	sdelay $0x3  }
0x94: {  	_ =	strace s5  }
0x95: {  	s5 =	sld [smem:$0x3FFC];
	_ =	sdelay $0x3  }
0x96: {  	_ =	strace s5  }
0x97: {  	s5 =	sld [smem:$0x3FFD];
	_ =	sdelay $0x3  }
0x98: {  	_ =	strace s5  }
0x99: {  	_ =	strace $0x8FFFFFFF  }
0x9a: {  	s19 =	sld [smem:$0x3FDB];
	_ =	sdelay $0x1  }
0x9b: {  	s6 =	simm.s32 $_scs_section_size  }
0x9c: {  	s7 =	simm.s32 $_size__tile_overlayer_lowered;
	s8 =	simm.s32 $_tile_overlayer_lowered  }
0x9d: {  	s22 =	simm.s32 $0x1BFF;
	s21 =	sshll.u32 s8, $0x1;
	s5 =	sadd.s32 s6, s19  }
0x9e: {  	s9 =	simm.s32 $0x0;
	s20 =	sshll.u32 s7, $0x1;
	s7 =	sadd.s32 s21, s5  }
0x9f: {  	[timem:s9], [sflag:s22] =	dma.local [hbm:s7], s20  }
0xa0: {  	_ =	swait.ge [sflag:s22], s20  }
0xa1: {  	s6 =	ssub.s32 $0x0, s20;
	[sflag:s22] =	ssyncset.done $0x0  }
0xa2: {  	[sflag:s22] =	ssyncadd.s32 s6;
	_ =	sdelay $0x1  }
0xa3: {  	s23 =	simm.s32 $0x1B8B  }
0xa4: {  	_ =	swait.ge [sflag:s23], $0x1  }
0xa5: {  	[sflag:s23] =	ssyncset.done $0x0  }
0xa6: {  	s25 =	simm.s32 $0x1B8E;
	s24 =	sld [smem:$0x3FFE];
	[sflag:s23] =	ssyncadd.s32 $0xFFFFFFFF  }
0xa7: {  	s26 =	simm.s32 $execute0_lowered;
	[smem:$0x3FD2] =	sst s25  }
0xa8: {  	s7 =	sshll.u32 s26, $0x1;
	_ =	strace $0x80000046;
	[dreg:$0x1] =	wrdreg $0xFFFFFFFF  }
0xa9: {  	s28 =	simm.s32 $_size_execute0_lowered;
	s5 =	sadd.s32 s5, s7;
	[dreg:$0x0] =	wrdreg $0x0  }
0xaa: {  	s7 =	sshll.u32 s28, $0x1;
	[dreg:$0x2] =	wrdreg s5  }
0xab: {  	[dreg:$0x3] =	wrdreg s7  }
0xac: {  	[dreg:$0x4] =	wrdreg $0xC0  }
0xad: {  	_ =	task [dreg:s9], $0x5FFFF  }
0xae: {  	[dreg:$0x1] =	wrdreg $0xFFFFFFFF  }
0xaf: {  	[dreg:$0x0] =	wrdreg $0x60  }
0xb0: {  	[dreg:$0x2] =	wrdreg s24  }
0xb1: {  	[dreg:$0x3] =	wrdreg s2  }
0xb2: {  	[dreg:$0x4] =	wrdreg s18  }
0xb3: {  	[dreg:$0x5] =	wrdreg s4  }
0xb4: {  	[dreg:$0x6] =	wrdreg $0xD0000  }
0xb5: {  	[dreg:$0x7] =	wrdreg $0x9  }
0xb6: {  	_ =	task.clear_ibuf [dreg:s9], $0x8FFFF;
	_ =	strace $0x90000046  }
0xb7: {  	s29 =	simm.s32 $0x9;
	_ =	strace $0x80000048  }
0xb8: {  	_ =	swait.ge [sflag:s29], $0x1  }
0xb9: {  	[sflag:s29] =	ssyncadd.s32 $0xFFFFFFFF  }
0xba: {  	_ =	strace $0x90000048  }
0xbb: {  	_ =	sfence  }
0xbc: {  	s30 =	sld [smem:$0x0];
	_ =	sdelay $0x2  }
0xbd: {  	s31 =	sshll.u32 s1, $0xD;
	s1 =	sshrl.u32 s1, $0x2  }
0xbe: {  	s3 =	sand.u32 $0x4000, s31;
	s1 =	sadd.s32 s1, s30  }
0xbf: {  	s0 =	sor.u32 s3, s0;
	s1 =	sshll.u32 s1, $0x11  }
0xc0: {  	s0 =	sor.u32 s1, s0  }
0xc1: {  	s0 =	sadd.s32 $0x8F2B, s0  }
0xc2: {  	[sflag:s0] =	ssyncadd.remote.s32 $0x1  }
0xc3: {  	_ =	sfence.sel $0xFFFF  }
0xc4: {  	[dreg:$0x0] =	wrdreg $0xFFFFFFFF;
	(pc) =	sbr.abs _section_cstart, $3  }
0xc5: {  	[dreg:$0x1] =	wrdreg $0xFFFFFFFF  }
0xc6: {  	_ =	task.clear_ibuf [dreg:s9], $0x2FFFF;
	_ =	strace $0x9FFFFFFF  }
0xc7: {  	(tm) =	ssettm $0x7FFFFFFF  }
tec
execute0_lowered:
.L_overlay_start_1:
0x0: {  	(tag) =	ssettag $0x1  }
0x1: {  	s3 =	rddreg [dreg:$0x0]  }
0x2: {  	s8 =	rddreg [dreg:$0x1]  }
0x3: {  	s9 =	rddreg [dreg:$0x2]  }
0x4: {  	s0 =	srdreg.scid;
	s11 =	rddreg [dreg:$0x3]  }
0x5: {  	s10 =	rddreg [dreg:$0x4];
	s7 =	simm.s32 $0x1;
	s2 =	simm.s32 $0x0  }
0x6: {  	s17 =	simm.s32 $0x6000;
	s18 =	simm.s32 $0x8000;
	s19 =	simm.s32 $0xA000  }
0x7: {  	s20 =	simm.s32 $0xA800;
	s21 =	simm.s32 $0xB000;
	s4 =	sand.u32 $0x1, s0  }
0x8: {  	s22 =	simm.s32 $0x0;
	s0 =	stileid.u32;
	s1 =	sshll.u32 s4, $0x4  }
0x9: {  	[smem:$0x7FF] =	sst s2;
	s6 =	sand.u32 $0x3, s0;
	s5 =	sor.u32 s0, s1  }
0xa: {  	s24 =	sadd.s32 $0xE00, s3;
	p0 =	sne.s32 s6, $0x0;
	p1 =	seq.s32 s5, $0x0  }
0xb: {  	s4 =	ssub.s32 $0x2, s4;
	s31 =	sshll.u32 s0, $0xB;
	p1 =	por !p0, !p1  }
0xc: {  	s1 =	rddreg [dreg:$0x5];
	_ =	strace $0x80000047;
	p1 =	por !p1, !p1  }
0xd: {  	s25 =	sshll.u32 s6, $0x10;
	s5 =	sshrl.u32 s5, $0x2;
	s7 =	simm.s32 @!p1 $0x0  }
0xe: {  	s14 =	sshrl.u32 s4, $0x1;
	s10 =	sadd.s32 s31, s10;
	s5 =	ssub.s32 s5, s7  }
0xf: {  	s14 =	ssub.s32 s4, s14;
	s12 =	sshrl.u32 s5, $0x3;
	s5 =	sshll.u32 s5, $0x7  }
0x10: {  	s26 =	sshll.u32 s12, $0x12;
	s13 =	sand.u32 $0x380, s5;
	s12 =	sshll.u32 s12, $0xE  }
0x11: {  	s28 =	sor.u32 s25, s26;
	s3 =	sor.u32 s25, s13;
	s12 =	sor.u32 s13, s12  }
0x12: {  	s15 =	sor.u32 s13, s28;
	s29 =	sor.u32 s26, s3;
	s3 =	simm.s32 $0x1  }
0x13: {  	s12 =	sshrl.u32 s12, $0x3;
	s13 =	simm.s32 $0x80;
	s5 =	sadd.s32 $0x40000, s15  }
0x14: {  	s16 =	sshrl.u32 s29, $0x3;
	s30 =	sadd.s32 $0x80000, s15;
	s15 =	sadd.s32 $0xC0000, s15  }
.Ltmp0:
0x15: {  	s9 =	sadd.s32 s9, s12;
	s11 =	sadd.s32 s11, s12;
	(pc) =	sbr.rel .LBB2_1-.Ltmp0, $4  }
0x16: {  	s12 =	smax.u32 s14, $0x1;
	s14 =	simm.s32 $0x400;
	s5 =	sshrl.u32 s5, $0x3  }
0x17: {  	s4 =	sadd.s32 s24, s16;
	s6 =	sshrl.u32 s30, $0x3;
	s15 =	sshrl.u32 s15, $0x3  }
0x18: {  	s8 =	sadd.s32 s8, s16;
	s16 =	simm.s32 $0x4000;
	s5 =	sadd.s32 s24, s5  }
0x19: {  	v0 =	vimm.f32 $0.0e+00;
	v1 =	vimm.s32 $0x0;
	s6 =	sadd.s32 s24, s6;
	s7 =	sadd.s32 s24, s15;
	s15 =	simm.s32 $0x2000  }
.LBB2_10:
0x1a: {  	v2 =	vadd.f32 v4, v2  }
0x1b: {  	v3 =	vadd.f32 v6, v3;
	v63 =	vadd.f32 v7, v5  }
0x1c: {  	v2 =	vadd.f32 v2, v8  }
0x1d: {  	[tilespmem:s23+$0xFFFFFFF0] =	vst v9;
	v3 =	vadd.f32 v63, v3  }
0x1e: {  	[tilespmem:s23+$0x0] =	vst v2  }
0x1f: {  	[tilespmem:s23+$0x10] =	vst v3  }
0x20: {  	[hbm4b:s11+s13] =	stream.strided.scatter [tilespmem:s20], [sflag:$0x1], $0x800, s14, s13, $0x38;
	[tilespmem:$0xD800] =	vst v63  }
0x21: {  	_ =	swait.ge [sflag:s3], $0x800  }
0x22: {  	[sflag:s3] =	ssyncset.done $0x0  }
0x23: {  	[sflag:s3] =	ssyncadd.s32 $0xFFFFF800  }
.LBB2_11:
0x24: {  	s22 =	sadd.s32 $0x1, s22  }
0x25: {  	p1 =	sne.s32 s22, s12  }
.Ltmp1:
0x26: {  	_ = 	snop;
	(pc) =	sbr.rel @!p1 .LBB2_12-.Ltmp1, $1  }
0x27: {  	_ =	sdelay $0x3  }
.LBB2_1:
0x28: {  	[tilespmem:s2], [sflag:$0x1] =	stream.strided.gather [hbm4b:s4+s13], $0x2000, s14, s13, $0x38;
	[tilespmem:$0xD800] =	vst v63  }
0x29: {  	_ =	swait.ge [sflag:s3], $0x2000  }
0x2a: {  	[sflag:s3] =	ssyncset.done $0x0  }
0x2b: {  	[sflag:s3] =	ssyncadd.s32 $0xFFFFE000  }
0x2c: {  	[tilespmem:s15], [sflag:$0x1] =	stream.strided.gather [hbm4b:s5+s13], $0x2000, s14, s13, $0x38;
	[tilespmem:$0xD800] =	vst v63  }
0x2d: {  	_ =	swait.ge [sflag:s3], $0x2000  }
0x2e: {  	[sflag:s3] =	ssyncset.done $0x0  }
0x2f: {  	[sflag:s3] =	ssyncadd.s32 $0xFFFFE000  }
0x30: {  	[tilespmem:s16], [sflag:$0x1] =	stream.strided.gather [hbm4b:s6+s13], $0x2000, s14, s13, $0x38;
	[tilespmem:$0xD800] =	vst v63  }
0x31: {  	_ =	swait.ge [sflag:s3], $0x2000  }
0x32: {  	[sflag:s3] =	ssyncset.done $0x0  }
0x33: {  	[sflag:s3] =	ssyncadd.s32 $0xFFFFE000  }
0x34: {  	[tilespmem:s17], [sflag:$0x1] =	stream.strided.gather [hbm4b:s7+s13], $0x2000, s14, s13, $0x38;
	[tilespmem:$0xD800] =	vst v63  }
0x35: {  	_ =	swait.ge [sflag:s3], $0x2000  }
0x36: {  	[sflag:s3] =	ssyncset.done $0x0  }
0x37: {  	[sflag:s3] =	ssyncadd.s32 $0xFFFFE000  }
0x38: {  	[tilespmem:s18], [sflag:$0x1] =	stream.strided.gather [hbm4b:s8+s13], $0x2000, s14, s13, $0x38;
	[tilespmem:$0xD800] =	vst v63  }
0x39: {  	_ =	swait.ge [sflag:s3], $0x2000  }
0x3a: {  	[sflag:s3] =	ssyncset.done $0x0  }
0x3b: {  	[sflag:s3] =	ssyncadd.s32 $0xFFFFE000  }
0x3c: {  	[tilespmem:s19], [sflag:$0x1] =	stream.strided.gather [hbm4b:s9+s13], $0x800, s14, s13, $0x38;
	[tilespmem:$0xD800] =	vst v63  }
0x3d: {  	_ =	swait.ge [sflag:s3], $0x800  }
0x3e: {  	[sflag:s3] =	ssyncset.done $0x0  }
0x3f: {  	s29 =	simm.s32 $0xA820;
	[sflag:s3] =	ssyncadd.s32 $0xFFFFF800  }
0x40: {  	[tilespmem:s29+$0xFFFFFFE0] =	vst v0  }
0x41: {  	s30 =	simm.s32 $0x0;
	s24 =	simm.s32 $0x6020;
	s23 =	simm.s32 $0x8020;
	[tilespmem:s29+$0x10] =	vst v0  }
0x42: {  	s25 =	simm.s32 $0x10;
	s28 =	simm.s32 $0x2020;
	s26 =	simm.s32 $0x4020;
	[tilespmem:s29+$0x0] =	vst v0  }
.LBB2_2:
0x43: {  	s30 =	sadd.s32 $0x4, s30  }
0x44: {  	[tilespmem:s29+$0xFFFFFFF0] =	vst v0;
	s29 =	sadd.s32 $0x40, s29;
	p1 =	slt.u32 s30, $0x7C  }
.Ltmp2:
0x45: {  	[tilespmem:s29+$0xFFFFFFE0] =	vst v0;
	(pc) =	sbr.rel @p1 .LBB2_2-.Ltmp2, $3  }
0x46: {  	_ =	sdelay $0x1  }
0x47: {  	[tilespmem:s29+$0x10] =	vst v0  }
0x48: {  	[tilespmem:s29+$0x0] =	vst v0  }
0x49: {  	[tilespmem:s29+$0xFFFFFFF0] =	vst v0  }
0x4a: {  	v2 =	vld [tilespmem:s24+$0x0]  }
0x4b: {  	v3 =	vld [tilespmem:s26+$0xFFFFFFE0]  }
0x4c: {  	v4 =	vld [tilespmem:s24+$0xFFFFFFF0]  }
0x4d: {  	v5 =	vld [tilespmem:s28+$0xFFFFFFE0]  }
0x4e: {  	v9 =	vld [tilespmem:s28+$0xFFFFFFF0]  }
0x4f: {  	s31 =	simm.s32 $0x40;
	v10 =	vld [tilespmem:s28+$0x0]  }
0x50: {  	v23 =	vld [tilespmem:s31+$0xFFFFFFF0]  }
0x51: {  	v6 =	vld [tilespmem:s25+$0x10]  }
0x52: {  	(erf) = vrcp.f32 v2;
	v2 =	vtrunc.f32 v5  }
0x53: {  	v7 =	vtrunc.f32 v9;
	(erf) = vrcp.f32 v3;
	v3 =	vld [tilespmem:s26+$0xFFFFFFF0]  }
0x54: {  	v8 =	vld [tilespmem:s25+$0xFFFFFFF0];
	v14 =	vtrunc.f32 v10;
	(erf) = vrcp.f32 v4  }
0x55: {  	v12 =	vld [tilespmem:s26+$0x0];
	v33 =	vtrunc.f32 v23;
	v16 =	vcvt.f32.s32 v2  }
0x56: {  	v2 =	vtrunc.f32 v6;
	v7 =	vcvt.f32.s32 v7  }
0x57: {  	v11 =	vld [tilespmem:s25+$0x0];
	v25 =	vcvt.f32.s32 v14;
	v2 =	vcvt.f32.s32 v2  }
0x58: {  	v13 =	vcvt.s32.f32 v16;
	(erf) = vrcp.f32 v3  }
0x59: {  	v14 =	vld [tilespmem:s24+$0xFFFFFFE0];
	v4 =	vtrunc.f32 v8;
	v3 =	vcvt.s32.f32 v2  }
0x5a: {  	v17 =	vcvt.s32.f32 v7;
	v5 =	vsub.f32 v5, v13;
	(erf) = vrcp.f32 v12  }
0x5b: {  	v12 =	vcvt.s32.f32 v25;
	v6 =	vsub.f32 v6, v3;
	v3 =	vcvt.f32.s32 v4;
	v15 =	vpop (erf)  }
0x5c: {  	v9 =	vsub.f32 v9, v17;
	v13 =	vmul.f32 $7.071067690e-01, v15;
	v15 =	vtrunc.f32 v11;
	v18 =	vpop (erf)  }
0x5d: {  	v10 =	vsub.f32 v10, v12;
	v19 =	vpop (erf);
	v4 =	vcvt.f32.s32 v15;
	v15 =	vcvt.s32.f32 v3  }
0x5e: {  	vm1 =	vgt.f32 v9, $0.0e+00;
	(erf) = vrcp.f32 v14;
	v17 =	vmul.f32 $7.071067690e-01, v19  }
0x5f: {  	vm0 =	vgt.f32 v6, $0.0e+00;
	v14 =	vmul.f32 v13, v10;
	v20 =	vcvt.s32.f32 v4  }
0x60: {  	v18 =	vmul.f32 $7.071067690e-01, v18;
	v8 =	vsub.f32 v8, v15;
	v12 =	vmul.f32 v17, v9  }
0x61: {  	vm3 =	vgt.f32 v10, $0.0e+00;
	v9 =	vsub.f32 v13, v14;
	v15 =	vpop (erf);
	v11 =	vsub.f32 v11, v20  }
0x62: {  	v20 =	vsel vm1, $0x1, v1;
	v17 =	vsub.f32 v17, v12;
	v15 =	vmul.f32 $7.071067690e-01, v15  }
0x63: {  	v12 =	vmul.f32 v12, v12;
	v20 =	vadd.s32 v7, v20;
	v9 =	vnsel vm3, $0x0, v9  }
0x64: {  	vm2 =	vgt.f32 v11, $0.0e+00;
	v9 =	vmul.f32 v9, v9;
	v13 =	vnsel vm1, $0x0, v17  }
0x65: {  	v17 =	vmul.f32 v14, v14;
	v12 =	vsub.f32 $0.0e+00, v12;
	v11 =	vmul.f32 v15, v11  }
0x66: {  	v14 =	vpop (erf);
	vm1 =	vgt.f32 v8, $0.0e+00;
	v10 =	vmul.f32 v13, v13;
	v13 =	vmul.f32 v18, v8  }
0x67: {  	v14 =	vmul.f32 $7.071067690e-01, v14;
	v22 =	vpop (erf);
	v9 =	vsub.f32 $0.0e+00, v9;
	v12 =	vmul.f32 $1.442695020e+00, v12  }
0x68: {  	v21 =	vmul.f32 v11, v11;
	v8 =	vmul.f32 $7.071067690e-01, v22;
	v11 =	vsub.f32 v15, v11  }
0x69: {  	v15 =	vsel vm3, $0x1, v1;
	v10 =	vsub.f32 $0.0e+00, v10;
	v18 =	vsub.f32 v18, v13  }
0x6a: {  	vm3 =	vgt.f32 v5, $0.0e+00;
	v13 =	vmul.f32 v13, v13;
	v6 =	vmul.f32 v14, v6  }
0x6b: {  	v9 =	vmul.f32 $1.442695020e+00, v9;
	v10 =	vmul.f32 $1.442695020e+00, v10;
	v18 =	vnsel vm1, $0x0, v18  }
0x6c: {  	v13 =	vsub.f32 $0.0e+00, v13;
	v14 =	vsub.f32 v14, v6;
	v6 =	vmul.f32 v6, v6  }
0x6d: {  	v18 =	vmul.f32 v18, v18;
	(erf) = vpow2.f32 v10;
	v10 =	vsub.f32 $0.0e+00, v21  }
0x6e: {  	v11 =	vnsel vm2, $0x0, v11;
	v21 =	vmul.f32 v8, v5;
	v13 =	vmul.f32 $1.442695020e+00, v13  }
0x6f: {  	v5 =	vmul.f32 v11, v11;
	v18 =	vsub.f32 $0.0e+00, v18;
	v10 =	vmul.f32 $1.442695020e+00, v10  }
0x70: {  	s24 =	simm.s32 $0x6050;
	v6 =	vsub.f32 $0.0e+00, v6;
	(erf) = vpow2.f32 v13;
	v13 =	vld.idx.msk [tilespmem:v20+s19+$0x0], $0xffff;
	v20 =	vmul.f32 v21, v21  }
0x71: {  	v11 =	vld [tilespmem:s24+$0x0];
	v8 =	vsub.f32 v8, v21;
	v5 =	vsub.f32 $0.0e+00, v5;
	v18 =	vmul.f32 $1.442695020e+00, v18  }
0x72: {  	v29 =	vmul.f32 $1.442695020e+00, v6;
	(erf) = vpow2.f32 v9;
	v9 =	vsub.f32 $0.0e+00, v20  }
0x73: {  	v24 =	vld [tilespmem:s31+$0x10];
	s26 =	simm.s32 $0x2050;
	v8 =	vnsel vm3, $0x0, v8;
	v5 =	vmul.f32 $1.442695020e+00, v5;
	(erf) = vpow2.f32 v18  }
0x74: {  	v19 =	vsel vm0, $0x1, v1;
	v18 =	vld [tilespmem:s26+$0xFFFFFFE0];
	v27 =	vmul.f32 v8, v8;
	(erf) = vpow2.f32 v10  }
0x75: {  	s28 =	simm.s32 $0x4050;
	v35 =	vadd.s32 v25, v15;
	v9 =	vmul.f32 $1.442695020e+00, v9;
	(erf) = vpow2.f32 v12  }
0x76: {  	v28 =	vld [tilespmem:s28+$0xFFFFFFE0];
	v10 =	vnsel vm0, $0x0, v14;
	v27 =	vsub.f32 $0.0e+00, v27;
	(erf) = vrcp.f32 v11  }
0x77: {  	v34 =	vld [tilespmem:s28+$0xFFFFFFF0];
	v8 =	vsel vm3, $0x1, v1;
	v10 =	vmul.f32 v10, v10;
	v20 =	vpop (erf);
	(erf) = vpow2.f32 v5  }
0x78: {  	v30 =	vadd.s32 v16, v8;
	v11 =	vld [tilespmem:s24+$0xFFFFFFF0];
	v5 =	vtrunc.f32 v24;
	v27 =	vmul.f32 $1.442695020e+00, v27  }
0x79: {  	v31 =	vld [tilespmem:s26+$0xFFFFFFF0];
	v32 =	vsub.f32 $0.0e+00, v10;
	v26 =	vmul.f32 v20, v13;
	v8 =	vtrunc.f32 v18  }
0x7a: {  	v36 =	vld [tilespmem:s26+$0x0];
	v13 =	vsel vm2, $0x1, v1;
	v5 =	vcvt.f32.s32 v5;
	v6 =	vpop (erf);
	v12 =	vcvt.f32.s32 v8  }
0x7b: {  	v15 =	vld.idx.msk [tilespmem:v7+s19+$0x0], $0xffff;
	v8 =	vsel vm1, $0x1, v1;
	(erf) = vrcp.f32 v28;
	v32 =	vmul.f32 $1.442695020e+00, v32;
	v22 =	vpop (erf)  }
0x7c: {  	v13 =	vadd.s32 v4, v13;
	(erf) = vpow2.f32 v29;
	v29 =	vcvt.s32.f32 v5;
	v10 =	vpop (erf)  }
0x7d: {  	v38 =	vld [tilespmem:s31+$0x0];
	v7 =	vadd.s32 v3, v8;
	v8 =	vcvt.s32.f32 v12;
	v14 =	vpop (erf);
	(erf) = vrcp.f32 v11  }
0x7e: {  	v28 =	vld [tilespmem:s28+$0x0];
	v29 =	vsub.f32 v24, v29;
	v11 =	vtrunc.f32 v31;
	v37 =	vpop (erf);
	(erf) = vrcp.f32 v34  }
0x7f: {  	v40 =	vadd.f32 v20, v37;
	v20 =	vcvt.f32.s32 v11;
	v11 =	vtrunc.f32 v36  }
0x80: {  	v21 =	vadd.f32 v10, v6;
	(erf) = vpow2.f32 v9;
	v9 =	vpop (erf);
	v24 =	vmul.f32 v37, v15  }
0x81: {  	v42 =	vsub.f32 v18, v8;
	v15 =	vcvt.f32.s32 v11;
	v58 =	vmul.f32 $7.071067690e-01, v9  }
0x82: {  	v41 =	vld [tilespmem:s24+$0xFFFFFFE0];
	v8 =	vadd.s32 v2, v19;
	v11 =	vtrunc.f32 v38;
	v9 =	vcvt.f32.s32 v33  }
0x83: {  	vm0 =	vgt.f32 v29, $0.0e+00;
	v18 =	vpop (erf);
	(erf) = vrcp.f32 v28;
	v19 =	vcvt.s32.f32 v20  }
0x84: {  	v59 =	vadd.f32 v18, v14;
	v11 =	vcvt.f32.s32 v11;
	v39 =	vcvt.s32.f32 v9  }
0x85: {  	v60 =	vpop (erf);
	v28 =	vsub.f32 v31, v19;
	v31 =	vcvt.s32.f32 v15;
	v19 =	vadd.f32 v26, v24  }
0x86: {  	v24 =	vsub.f32 $0.0e+00, v17;
	v43 =	vmul.f32 $7.071067690e-01, v60;
	v61 =	vcvt.s32.f32 v11  }
0x87: {  	v26 =	vld.idx.msk [tilespmem:v16+s19+$0x0], $0xffff;
	v16 =	vpop (erf);
	(erf) = vrcp.f32 v41;
	v45 =	vsub.f32 v23, v39;
	v36 =	vsub.f32 v36, v31  }
0x88: {  	v44 =	vmul.f32 $1.442695020e+00, v24;
	v33 =	vsub.f32 v38, v61;
	vm3 =	vgt.f32 v28, $0.0e+00  }
0x89: {  	v46 =	vmul.f32 v43, v45;
	v51 =	vsel vm3, $0x1, v1;
	v31 =	vpop (erf);
	v23 =	vmul.f32 v58, v36  }
0x8a: {  	vm1 =	vgt.f32 v36, $0.0e+00;
	(erf) = vpow2.f32 v44;
	v63 =	vmul.f32 $7.071067690e-01, v31  }
0x8b: {  	v35 =	vld.idx.msk [tilespmem:v35+s19+$0x0], $0xffff;
	vm2 =	vgt.f32 v33, $0.0e+00;
	v24 =	vpop (erf);
	(erf) = vpow2.f32 v32;
	v53 =	vmul.f32 v46, v46  }
0x8c: {  	v43 =	vsub.f32 v43, v46;
	v62 =	vmul.f32 $7.071067690e-01, v24;
	v31 =	vpop (erf);
	v24 =	vmul.f32 v23, v23  }
0x8d: {  	v34 =	vsub.f32 v58, v23;
	v26 =	vmul.f32 v31, v26;
	v23 =	vmul.f32 v63, v28  }
0x8e: {  	v50 =	vpop (erf);
	v28 =	vsel vm1, $0x1, v1;
	v32 =	vsub.f32 $0.0e+00, v53;
	v47 =	vmul.f32 v62, v33  }
0x8f: {  	v33 =	vmul.f32 $7.071067690e-01, v50;
	v34 =	vnsel vm1, $0x0, v34;
	v48 =	vsub.f32 v63, v23  }
0x90: {  	vm1 =	vgt.f32 v45, $0.0e+00;
	v49 =	vmul.f32 v23, v23;
	v23 =	vmul.f32 v22, v35  }
0x91: {  	v35 =	vadd.s32 v20, v51;
	v56 =	vpop (erf);
	(erf) = vpow2.f32 v27;
	v36 =	vnsel vm3, $0x0, v48  }
0x92: {  	v27 =	vmul.f32 v34, v34;
	v58 =	vnsel vm1, $0x0, v43;
	v52 =	vmul.f32 v36, v36  }
0x93: {  	v32 =	vmul.f32 $1.442695020e+00, v32;
	v38 =	vsub.f32 v62, v47;
	v55 =	vmul.f32 v47, v47  }
0x94: {  	v57 =	vmul.f32 $7.071067690e-01, v56;
	v34 =	vmul.f32 v58, v58;
	v41 =	vsub.f32 $0.0e+00, v52  }
0x95: {  	v39 =	vsub.f32 $0.0e+00, v49;
	v54 =	vnsel vm2, $0x0, v38;
	v38 =	vmul.f32 v40, v59  }
0x96: {  	v61 =	vsub.f32 $0.0e+00, v27;
	v59 =	vmul.f32 v57, v42;
	v41 =	vmul.f32 $1.442695020e+00, v41  }
0x97: {  	v25 =	vld.idx.msk [tilespmem:v25+s19+$0x0], $0xffff;
	v60 =	vsub.f32 $0.0e+00, v55;
	v62 =	vsub.f32 $0.0e+00, v34;
	v36 =	vmul.f32 $1.442695020e+00, v39  }
0x98: {  	v39 =	vmul.f32 v33, v29;
	v29 =	vsel vm2, $0x1, v1;
	(erf) = vpow2.f32 v41  }
0x99: {  	v63 =	vmul.f32 $1.442695020e+00, v61;
	vm2 =	vgt.f32 v42, $0.0e+00;
	v42 =	vmul.f32 v54, v54  }
0x9a: {  	v40 =	vmul.f32 $1.442695020e+00, v60;
	v34 =	vld.idx.msk [tilespmem:v35+s19+$0x0], $0xffff;
	v45 =	vsub.f32 v57, v59;
	v43 =	vmul.f32 v59, v59  }
0x9b: {  	s29 =	simm.s32 $0x2080;
	s30 =	simm.s32 $0x4080;
	s25 =	simm.s32 $0x3;
	v17 =	vsel vm0, $0x1, v1;
	v35 =	vld.idx.msk [tilespmem:v30+s19+$0x0], $0xffff;
	v30 =	vmul.f32 $1.442695020e+00, v62;
	(erf) = vpow2.f32 v32;
	v41 =	vpop (erf)  }
0x9c: {  	s26 =	simm.s32 $0x6080;
	s24 =	simm.s32 $0x8020;
	s28 =	simm.s32 $0x70;
	v37 =	vld [tilespmem:s23+$0xFFFFFFF0];
	v32 =	vnsel vm2, $0x0, v45;
	(erf) = vpow2.f32 v63;
	v27 =	vmul.f32 v41, v25;
	v25 =	vpop (erf)  }
.LBB2_4:
0x9d: {  	v44 =	vld [tilespmem:s28+$0x10];
	s25 =	sadd.s32 $0x3, s25;
	v43 =	vsub.f32 $0.0e+00, v43;
	v45 =	vsel vm2, $0x1, v1;
	(erf) = vpow2.f32 v30;
	s23 =	sadd.s32 $0x30, s23;
	v46 =	vpop (erf)  }
0x9e: {  	v41 =	vadd.f32 v22, v41;
	v47 =	vld [tilespmem:s26+$0x0];
	p1 =	slt.u32 s25, $0x1FB;
	v30 =	vadd.s32 v12, v45;
	v45 =	vadd.f32 v46, v31  }
0x9f: {  	v22 =	vsub.f32 v33, v39;
	v48 =	vld [tilespmem:s29+$0xFFFFFFE0];
	v43 =	vmul.f32 $1.442695020e+00, v43;
	(erf) = vpow2.f32 v40  }
0xa0: {  	v33 =	vmul.f32 v39, v39;
	v38 =	vadd.f32 $3.999999990e-06, v38;
	v35 =	vmul.f32 v46, v35;
	v31 =	vld [tilespmem:s28+$0xFFFFFFF0]  }
0xa1: {  	v22 =	vnsel vm0, $0x0, v22;
	v21 =	vmul.f32 v45, v21;
	v40 =	vld [tilespmem:s30+$0xFFFFFFE0];
	(erf) = vpow2.f32 v36;
	v46 =	vpop (erf)  }
0xa2: {  	v39 =	vsub.f32 $0.0e+00, v33;
	v26 =	vadd.f32 v35, v26;
	v45 =	vld [tilespmem:s30+$0xFFFFFFF0];
	(erf) = vrcp.f32 v38  }
0xa3: {  	v52 =	vmul.f32 v22, v22;
	v35 =	vsub.f32 $0.0e+00, v42;
	v42 =	vmul.f32 v46, v34;
	v33 =	vld [tilespmem:s26+$0xFFFFFFE0]  }
0xa4: {  	v50 =	vmul.f32 v32, v32;
	v32 =	vmul.f32 $1.442695020e+00, v39;
	v38 =	vadd.f32 $3.999999990e-06, v21;
	v49 =	vld [tilespmem:s30+$0x0];
	v36 =	vpop (erf)  }
0xa5: {  	v34 =	vsub.f32 $0.0e+00, v52;
	v35 =	vmul.f32 $1.442695020e+00, v35;
	v39 =	vtrunc.f32 v48;
	v51 =	vld [tilespmem:s29+$0xFFFFFFF0];
	v22 =	vpop (erf)  }
0xa6: {  	v28 =	vadd.s32 v15, v28;
	v53 =	vadd.f32 v25, v16;
	v52 =	vld [tilespmem:s26+$0xFFFFFFF0];
	(erf) = vrcp.f32 v47;
	v47 =	vpop (erf)  }
0xa7: {  	v54 =	vtrunc.f32 v31;
	v21 =	vadd.f32 v47, v36;
	v55 =	vld.idx.msk [tilespmem:v20+s19+$0x0], $0xffff;
	(erf) = vpow2.f32 v35  }
0xa8: {  	v56 =	vcvt.f32.s32 v39;
	v20 =	vsel vm1, $0x1, v1;
	v35 =	vmul.f32 v41, v53;
	v57 =	vld [tilespmem:s28+$0x0];
	v58 =	vpop (erf)  }
0xa9: {  	v53 =	vtrunc.f32 v44;
	v39 =	vadd.s32 v9, v20;
	v41 =	vld [tilespmem:s29+$0x0];
	(erf) = vrcp.f32 v38  }
0xaa: {  	v38 =	vcvt.f32.s32 v53;
	v53 =	vadd.f32 $3.999999990e-06, v35;
	(erf) = vrcp.f32 v40;
	v40 =	vpop (erf)  }
0xab: {  	v29 =	vadd.s32 v11, v29;
	v20 =	vcvt.s32.f32 v56;
	(erf) = vpow2.f32 v32;
	v59 =	vpop (erf)  }
0xac: {  	v60 =	vcvt.s32.f32 v38;
	v35 =	vadd.f32 v46, v40;
	(erf) = vrcp.f32 v52  }
0xad: {  	v32 =	vsub.f32 v48, v20;
	v20 =	vtrunc.f32 v51;
	v46 =	vmul.f32 v59, v37  }
0xae: {  	v20 =	vcvt.f32.s32 v20;
	v44 =	vsub.f32 v44, v60;
	(erf) = vrcp.f32 v53  }
0xaf: {  	v40 =	vmul.f32 v40, v55;
	v52 =	vadd.s32 v5, v17;
	v37 =	vtrunc.f32 v41;
	v48 =	vpop (erf);
	v17 =	vld [tilespmem:s24+$0xFFFFFFE0]  }
0xb0: {  	v53 =	vcvt.s32.f32 v20;
	(erf) = vrcp.f32 v45;
	v45 =	vsub.f32 $0.0e+00, v50;
	v50 =	vpop (erf)  }
0xb1: {  	v55 =	vcvt.f32.s32 v37;
	v48 =	vmul.f32 $7.071067690e-01, v48;
	v37 =	vadd.f32 v50, v58  }
0xb2: {  	v51 =	vsub.f32 v51, v53;
	(erf) = vpow2.f32 v43;
	v43 =	vmul.f32 v46, v19;
	v46 =	vpop (erf)  }
0xb3: {  	v53 =	vtrunc.f32 v57;
	v19 =	vadd.f32 v42, v40;
	v59 =	vpop (erf);
	(erf) = vrcp.f32 v49  }
0xb4: {  	vm0 =	vgt.f32 v44, $0.0e+00;
	v40 =	vcvt.s32.f32 v55;
	v42 =	vpop (erf);
	v46 =	vmul.f32 v46, v17  }
0xb5: {  	v62 =	vsub.f32 $0.0e+00, v24;
	v49 =	vcvt.f32.s32 v54;
	v54 =	vmul.f32 $7.071067690e-01, v59;
	v59 =	vpop (erf);
	v60 =	vld [tilespmem:s24+$0x0];
	s24 =	smov.u32 s23  }
0xb6: {  	v53 =	vcvt.f32.s32 v53;
	v17 =	vsel vm0, $0x1, v1;
	v61 =	vld.idx.msk [tilespmem:v12+s19+$0x0], $0xffff;
	v46 =	vmul.f32 v46, v26;
	v12 =	vmovc v56  }
0xb7: {  	v40 =	vsub.f32 v41, v40;
	v41 =	vmul.f32 $1.442695020e+00, v62;
	v26 =	vcvt.s32.f32 v49;
	v24 =	vpop (erf)  }
0xb8: {  	v23 =	vadd.f32 v23, v27;
	v62 =	vmul.f32 v43, v14;
	v14 =	vmovc v58;
	v56 =	vcvt.s32.f32 v53  }
0xb9: {  	v18 =	vmul.f32 v43, v18;
	v27 =	vsub.f32 v31, v26;
	v26 =	vmul.f32 v48, v40;
	v31 =	vpop (erf);
	v58 =	vld.idx.msk [tilespmem:v28+s19+$0x0], $0xffff  }
0xba: {  	v28 =	vsub.f32 v57, v56;
	v56 =	vmul.f32 v46, v10;
	v43 =	vmul.f32 $7.071067690e-01, v31;
	[tilespmem:v4+s20+$0x0] =	vst.idx.add.f32.msk $0xffff, v62  }
0xbb: {  	v57 =	vmul.f32 $7.071067690e-01, v59;
	v48 =	vsub.f32 v48, v26;
	v62 =	vmul.f32 v24, v60;
	v31 =	vpop (erf);
	[tilespmem:v13+s20+$0x0] =	vst.idx.add.f32.msk $0xffff, v18  }
0xbc: {  	vm1 =	vgt.f32 v40, $0.0e+00;
	v24 =	vmul.f32 v26, v26;
	v40 =	vpop (erf);
	v26 =	vmul.f32 v31, v61  }
0xbd: {  	v10 =	vmovc v47;
	v59 =	vmul.f32 v54, v27;
	vm2 =	vgt.f32 v28, $0.0e+00;
	v13 =	vmovc v29;
	v60 =	vmul.f32 v43, v28  }
0xbe: {  	v4 =	vmovc v11;
	v29 =	vmul.f32 v57, v51;
	v18 =	vmovc v50;
	v28 =	vsel vm1, $0x1, v1;
	v47 =	vmul.f32 v62, v23  }
0xbf: {  	vm3 =	vgt.f32 v51, $0.0e+00;
	v46 =	vmul.f32 v46, v6;
	v6 =	vmovc v36;
	v11 =	vmovc v53;
	(erf) = vrcp.f32 v33  }
0xc0: {  	v36 =	vsub.f32 v57, v29;
	v29 =	vmul.f32 v29, v29;
	v23 =	vmul.f32 v22, v58  }
0xc1: {  	v50 =	vsel vm3, $0x1, v1;
	v25 =	vmul.f32 v47, v25;
	v33 =	vmul.f32 $7.071067690e-01, v40;
	[tilespmem:v3+s20+$0x0] =	vst.idx.add.f32.msk $0xffff, v46;
	v3 =	vmovc v9  }
0xc2: {  	v36 =	vnsel vm3, $0x0, v36;
	v29 =	vsub.f32 $0.0e+00, v29;
	v40 =	vmul.f32 v47, v16;
	[tilespmem:v7+s20+$0x0] =	vst.idx.add.f32.msk $0xffff, v56;
	v7 =	vmovc v39  }
0xc3: {  	v16 =	vmovc v42;
	v46 =	vadd.s32 v20, v50;
	v9 =	vmovc v49;
	v39 =	vmul.f32 v36, v36;
	(erf) = vpow2.f32 v41  }
0xc4: {  	v34 =	vmul.f32 $1.442695020e+00, v34;
	v36 =	vmul.f32 $1.442695020e+00, v29;
	v41 =	vsub.f32 v43, v60;
	[tilespmem:v2+s20+$0x0] =	vst.idx.add.f32.msk $0xffff, v40;
	v2 =	vmovc v5  }
0xc5: {  	v40 =	vsub.f32 v54, v59;
	v42 =	vsub.f32 $0.0e+00, v39;
	v39 =	vmul.f32 v33, v44;
	[tilespmem:v8+s20+$0x0] =	vst.idx.add.f32.msk $0xffff, v25  }
0xc6: {  	v29 =	vsel vm2, $0x1, v1;
	v5 =	vmovc v38;
	v25 =	vmul.f32 $1.442695020e+00, v45;
	v8 =	vmovc v52;
	(erf) = vpow2.f32 v34  }
0xc7: {  	v38 =	vnsel vm1, $0x0, v48;
	v34 =	vmul.f32 v59, v59;
	v42 =	vmul.f32 $1.442695020e+00, v42;
	v43 =	vld.idx.msk [tilespmem:v15+s19+$0x0], $0xffff;
	v15 =	vmovc v55  }
0xc8: {  	v44 =	vnsel vm2, $0x0, v41;
	v41 =	vmul.f32 v60, v60;
	v45 =	vpop (erf);
	(erf) = vpow2.f32 v25  }
0xc9: {  	vm1 =	vgt.f32 v27, $0.0e+00;
	v27 =	vmul.f32 v38, v38;
	v25 =	vmul.f32 $7.071067690e-01, v45  }
0xca: {  	v38 =	vmul.f32 v35, v37;
	v40 =	vnsel vm1, $0x0, v40;
	v34 =	vsub.f32 $0.0e+00, v34  }
0xcb: {  	v37 =	vmul.f32 v40, v40;
	v40 =	vsub.f32 $0.0e+00, v41;
	v35 =	vmul.f32 v25, v32  }
.Ltmp3:
0xcc: {  	v47 =	vsub.f32 $0.0e+00, v27;
	v45 =	vmul.f32 $1.442695020e+00, v34;
	(erf) = vpow2.f32 v42;
	v41 =	vpop (erf);
	(pc) =	sbr.rel @p1 .LBB2_4-.Ltmp3, $4  }
0xcd: {  	v37 =	vsub.f32 $0.0e+00, v37;
	v40 =	vmul.f32 $1.442695020e+00, v40;
	v34 =	vld.idx.msk [tilespmem:v46+s19+$0x0], $0xffff;
	v27 =	vmul.f32 v41, v43  }
0xce: {  	v42 =	vsub.f32 v25, v35;
	v43 =	vmul.f32 v35, v35;
	v46 =	vmul.f32 $1.442695020e+00, v47;
	v35 =	vld.idx.msk [tilespmem:v30+s19+$0x0], $0xffff  }
0xcf: {  	s26 =	sadd.s32 $0x30, s26;
	vm2 =	vgt.f32 v32, $0.0e+00;
	v30 =	vmul.f32 $1.442695020e+00, v37;
	(erf) = vpow2.f32 v45;
	v25 =	vpop (erf)  }
0xd0: {  	s30 =	sadd.s32 $0x30, s30;
	s28 =	sadd.s32 $0x30, s28;
	s29 =	sadd.s32 $0x30, s29;
	v32 =	vnsel vm2, $0x0, v42;
	v42 =	vmul.f32 v44, v44;
	(erf) = vpow2.f32 v46;
	v37 =	vld [tilespmem:s23+$0xFFFFFFF0]  }
0xd1: {  	v44 =	vpop (erf);
	(erf) = vpow2.f32 v30;
	v22 =	vadd.f32 v22, v41;
	v52 =	vsub.f32 v33, v39  }
0xd2: {  	v53 =	vmul.f32 v39, v39;
	v38 =	vadd.f32 $3.999999990e-06, v38;
	v55 =	vadd.f32 v25, v16  }
0xd3: {  	v32 =	vmul.f32 v32, v32;
	v31 =	vadd.f32 v44, v31;
	(erf) = vpow2.f32 v40  }
0xd4: {  	v56 =	vsub.f32 $0.0e+00, v43;
	v54 =	vsub.f32 $0.0e+00, v42;
	(erf) = vpow2.f32 v36  }
0xd5: {  	v33 =	vsub.f32 $0.0e+00, v53;
	v22 =	vmul.f32 v22, v55;
	v21 =	vmul.f32 v31, v21  }
0xd6: {  	v30 =	vnsel vm0, $0x0, v52;
	(erf) = vrcp.f32 v38;
	v36 =	vmul.f32 $1.442695020e+00, v54  }
0xd7: {  	v30 =	vmul.f32 v30, v30;
	v33 =	vmul.f32 $1.442695020e+00, v33;
	v21 =	vadd.f32 $3.999999990e-06, v21  }
0xd8: {  	v58 =	vsub.f32 $0.0e+00, v24;
	v59 =	vmul.f32 $1.442695020e+00, v56;
	(erf) = vpow2.f32 v36  }
0xd9: {  	v57 =	vadd.f32 $3.999999990e-06, v22;
	v30 =	vsub.f32 $0.0e+00, v30;
	(erf) = vrcp.f32 v21  }
0xda: {  	v22 =	vmul.f32 $1.442695020e+00, v58;
	v31 =	vpop (erf);
	(erf) = vpow2.f32 v33  }
0xdb: {  	v60 =	vsub.f32 $0.0e+00, v32;
	v33 =	vpop (erf);
	(erf) = vrcp.f32 v57  }
0xdc: {  	v61 =	vmul.f32 $1.442695020e+00, v30;
	v32 =	vpop (erf);
	(erf) = vpow2.f32 v59  }
0xdd: {  	v21 =	vmul.f32 $1.442695020e+00, v60;
	v30 =	vpop (erf);
	(erf) = vpow2.f32 v22  }
0xde: {  	v22 =	vpop (erf);
	(erf) = vpow2.f32 v61  }
0xdf: {  	v24 =	vpop (erf);
	(erf) = vpow2.f32 v21  }
0xe0: {  	v62 =	vpop (erf)  }
0xe1: {  	v36 =	vpop (erf)  }
0xe2: {  	v63 =	vpop (erf)  }
0xe3: {  	v39 =	vpop (erf)  }
0xe4: {  	v52 =	vpop (erf)  }
0xe5: {  	v53 =	vpop (erf)  }
0xe6: {  	v45 =	vadd.f32 v31, v24;
	v46 =	vadd.f32 v36, v22;
	v42 =	vpop (erf)  }
0xe7: {  	v43 =	vpop (erf)  }
0xe8: {  	v45 =	vmul.f32 v45, v46;
	v47 =	vpop (erf)  }
0xe9: {  	v28 =	vadd.s32 v15, v28;
	v48 =	vadd.f32 v30, v33;
	v49 =	vadd.f32 v47, v53  }
0xea: {  	v20 =	vld.idx.msk [tilespmem:v20+s19+$0x0], $0xffff;
	v54 =	vsel vm2, $0x1, v1;
	v45 =	vadd.f32 $3.999999990e-06, v45  }
0xeb: {  	v56 =	vld [tilespmem:s24+$0xFFFFFFE0];
	v55 =	vadd.f32 v32, v42;
	v57 =	vadd.f32 v43, v39;
	v48 =	vmul.f32 v49, v48  }
0xec: {  	v58 =	vadd.s32 v12, v54;
	(erf) = vrcp.f32 v45  }
0xed: {  	v50 =	vld.idx.msk [tilespmem:v15+s19+$0x0], $0xffff;
	v21 =	vmul.f32 v62, v37;
	v37 =	vmul.f32 v55, v57;
	v59 =	vadd.f32 $3.999999990e-06, v48  }
0xee: {  	v35 =	vmul.f32 v44, v35;
	v28 =	vld.idx.msk [tilespmem:v28+s19+$0x0], $0xffff;
	v44 =	vmul.f32 v31, v34  }
0xef: {  	v61 =	vld.idx.msk [tilespmem:v12+s19+$0x0], $0xffff;
	v19 =	vmul.f32 v21, v19;
	v37 =	vadd.f32 $3.999999990e-06, v37;
	(erf) = vrcp.f32 v59  }
0xf0: {  	s23 =	sadd.s32 $0x30, s23;
	v26 =	vadd.f32 v35, v26;
	v60 =	vld [tilespmem:s24+$0x0];
	v20 =	vmul.f32 v24, v20;
	v62 =	vmul.f32 v63, v56  }
0xf1: {  	v46 =	vld [tilespmem:s23+$0xFFFFFFF0];
	v14 =	vmul.f32 v19, v14;
	(erf) = vrcp.f32 v37  }
0xf2: {  	v29 =	vadd.s32 v11, v29;
	v23 =	vadd.f32 v23, v27;
	v38 =	vld.idx.msk [tilespmem:v58+s19+$0x0], $0xffff;
	v26 =	vmul.f32 v62, v26  }
0xf3: {  	v51 =	vadd.f32 v44, v20;
	v18 =	vmul.f32 v19, v18;
	[tilespmem:v4+s20+$0x0] =	vst.idx.add.f32.msk $0xffff, v14  }
0xf4: {  	v63 =	vsel vm1, $0x1, v1;
	v12 =	vmul.f32 v53, v61;
	v6 =	vmul.f32 v26, v6;
	v48 =	vld [tilespmem:s23+$0xFFFFFFE0]  }
0xf5: {  	v54 =	vld [tilespmem:s23+$0x0];
	v4 =	vadd.s32 v9, v63;
	v10 =	vmul.f32 v26, v10;
	v49 =	vmul.f32 v52, v60;
	v53 =	vpop (erf)  }
0xf6: {  	v58 =	vmul.f32 v42, v50;
	[tilespmem:v3+s20+$0x0] =	vst.idx.add.f32.msk $0xffff, v6;
	v3 =	vmul.f32 v53, v46  }
0xf7: {  	[tilespmem:v13+s20+$0x0] =	vst.idx.add.f32.msk $0xffff, v18;
	v14 =	vmul.f32 v47, v38;
	v52 =	vmul.f32 v49, v23  }
0xf8: {  	v55 =	vmul.f32 v32, v28;
	[tilespmem:v7+s20+$0x0] =	vst.idx.add.f32.msk $0xffff, v10;
	v3 =	vmul.f32 v3, v51;
	v56 =	vpop (erf)  }
0xf9: {  	v12 =	vadd.f32 v14, v12;
	v57 =	vmul.f32 v52, v16;
	v6 =	vmul.f32 v56, v48  }
0xfa: {  	v7 =	vadd.f32 v55, v58;
	v59 =	vmul.f32 v52, v25;
	v61 =	vmul.f32 v3, v22;
	v60 =	vpop (erf)  }
0xfb: {  	[tilespmem:v2+s20+$0x0] =	vst.idx.add.f32.msk $0xffff, v57;
	v2 =	vmul.f32 v6, v12;
	v6 =	vmul.f32 v60, v54  }
0xfc: {  	v62 =	vadd.s32 v5, v17;
	[tilespmem:v8+s20+$0x0] =	vst.idx.add.f32.msk $0xffff, v59;
	v3 =	vmul.f32 v3, v36  }
0xfd: {  	[tilespmem:v11+s20+$0x0] =	vst.idx.add.f32.msk $0xffff, v61;
	v6 =	vmul.f32 v6, v7;
	v63 =	vmul.f32 v2, v33  }
0xfe: {  	[tilespmem:v29+s20+$0x0] =	vst.idx.add.f32.msk $0xffff, v3;
	v2 =	vmul.f32 v2, v30  }
0xff: {  	[tilespmem:v9+s20+$0x0] =	vst.idx.add.f32.msk $0xffff, v63;
	v3 =	vmul.f32 v6, v39  }
0x100: {  	v6 =	vmul.f32 v6, v43;
	[tilespmem:v4+s20+$0x0] =	vst.idx.add.f32.msk $0xffff, v2  }
0x101: {  	[tilespmem:v5+s20+$0x0] =	vst.idx.add.f32.msk $0xffff, v3  }
0x102: {  	s23 =	simm.s32 $0x0;
	[tilespmem:v62+s20+$0x0] =	vst.idx.add.f32.msk $0xffff, v6  }
.LBB2_6:
0x103: {  	s24 =	sshra.s32 s23, $0x2  }
0x104: {  	v2 =	vld [tilespmem:s24+$0x5FE0];
	_ =	sdelay $0x1  }
0x105: {  	v3 =	vld [tilespmem:s24+$0x7FE0];
	_ =	sdelay $0x2  }
0x106: {  	v4 =	vld [tilespmem:s24+$0x1FE0];
	(erf) = vrcp.f32 v2;
	_ =	sdelay $0x1  }
0x107: {  	v2 =	vld [tilespmem:s24+$0x3FE0];
	(erf) = vrcp.f32 v3;
	_ =	sdelay $0x2  }
0x108: {  	v3 =	vtrunc.f32 v4  }
0x109: {  	v3 =	vcvt.f32.s32 v3  }
0x10a: {  	v5 =	vtrunc.f32 v2  }
0x10b: {  	v6 =	vcvt.s32.f32 v3;
	v5 =	vcvt.f32.s32 v5  }
0x10c: {  	v7 =	vpop (erf)  }
0x10d: {  	v4 =	vsub.f32 v4, v6;
	v8 =	vcvt.s32.f32 v5;
	v45 =	vmul.f32 $7.071067690e-01, v7  }
0x10e: {  	v46 =	vpop (erf)  }
0x10f: {  	v2 =	vsub.f32 v2, v8;
	v7 =	vmul.f32 $7.071067690e-01, v46;
	v47 =	vmul.f32 v45, v4;
	_ =	sdelay $0x1  }
0x110: {  	v9 =	vmul.f32 v7, v2;
	v6 =	vsub.f32 v45, v47  }
0x111: {  	vm0 =	vgt.f32 v4, $0.0e+00  }
0x112: {  	v49 =	vmul.f32 v47, v47;
	v48 =	vsub.f32 v7, v9;
	v4 =	vnsel vm0, $0x0, v6  }
0x113: {  	vm1 =	vgt.f32 v2, $0.0e+00;
	v2 =	vmul.f32 v4, v4  }
0x114: {  	v52 =	vmul.f32 v9, v9;
	v51 =	vsub.f32 $0.0e+00, v49;
	v50 =	vnsel vm1, $0x0, v48  }
0x115: {  	v4 =	vmul.f32 v50, v50;
	v2 =	vsub.f32 $0.0e+00, v2  }
0x116: {  	v7 =	vsub.f32 $0.0e+00, v52;
	v6 =	vmul.f32 $1.442695020e+00, v51  }
0x117: {  	v4 =	vsub.f32 $0.0e+00, v4;
	v2 =	vmul.f32 $1.442695020e+00, v2  }
0x118: {  	v53 =	vmul.f32 $1.442695020e+00, v7;
	(erf) = vpow2.f32 v6  }
0x119: {  	(erf) = vpow2.f32 v2;
	v2 =	vmul.f32 $1.442695020e+00, v4  }
0x11a: {  	(erf) = vpow2.f32 v53  }
0x11b: {  	(erf) = vpow2.f32 v2;
	_ =	sdelay $0x5  }
0x11c: {  	v2 =	vpop (erf)  }
0x11d: {  	v54 =	vpop (erf)  }
0x11e: {  	v6 =	vpop (erf)  }
0x11f: {  	v55 =	vpop (erf)  }
0x120: {  	v56 =	vadd.f32 v54, v2;
	v57 =	vadd.f32 v55, v6;
	_ =	sdelay $0x1  }
0x121: {  	v8 =	vmul.f32 v57, v56  }
0x122: {  	v58 =	vsel vm1, $0x1, v1  }
0x123: {  	v9 =	vadd.s32 v5, v58;
	v8 =	vadd.f32 $3.999999990e-06, v8;
	_ =	sdelay $0x1  }
0x124: {  	(erf) = vrcp.f32 v8;
	_ =	sdelay $0x1  }
0x125: {  	v5 =	vld.idx.msk [tilespmem:v5+s19+$0x0], $0xffff  }
0x126: {  	v59 =	vld.idx.msk [tilespmem:v9+s19+$0x0], $0xffff;
	_ =	sdelay $0x1  }
0x127: {  	v60 =	vld [tilespmem:s24+$0x9FE0];
	_ =	sdelay $0x2  }
0x128: {  	v5 =	vmul.f32 v6, v5;
	v61 =	vmul.f32 v55, v59  }
0x129: {  	v62 =	vpop (erf)  }
0x12a: {  	v5 =	vadd.f32 v61, v5;
	v7 =	vmul.f32 v62, v60  }
0x12b: {  	v63 =	vsel vm0, $0x1, v1  }
0x12c: {  	p1 =	sne.s32 s23, $0x40;
	v6 =	vadd.s32 v3, v63;
	v5 =	vmul.f32 v7, v5  }
.Ltmp4:
0x12d: {  	_ = 	snop;
	(pc) =	sbr.rel @p1 .LBB2_6-.Ltmp4, $4  }
0x12e: {  	v2 =	vmul.f32 v5, v2  }
0x12f: {  	v4 =	vmul.f32 v5, v54  }
0x130: {  	[tilespmem:v3+s20+$0x0] =	vst.idx.add.f32.msk $0xffff, v2  }
0x131: {  	s23 =	sadd.s32 $0x40, s23;
	[tilespmem:v6+s20+$0x0] =	vst.idx.add.f32.msk $0xffff, v4  }
0x132: {  	[spmem:s10] =	stream.linear.scatter [tilespmem:s20], [sflag:$0x1], $0x800, $0x38;
	[tilespmem:$0xD800] =	vst v63  }
.Ltmp5:
0x133: {  	_ =	swait.ge [sflag:s3], $0x800;
	(pc) =	sbr.rel @p0 .LBB2_11-.Ltmp5, $3  }
0x134: {  	[sflag:s3] =	ssyncset.done $0x0  }
0x135: {  	[sflag:s3] =	ssyncadd.s32 $0xFFFFF800  }
0x136: {  	[bflag:$0x0] =	sbarrier.arrive $0xFFFF;
	_ =	sdelay $0x1  }
0x137: {  	[tilespmem:s21], [sflag:$0x1] =	stream.linear.gather [spmem:s10], $0x2000, $0x38;
	[tilespmem:$0xD800] =	vst v63  }
0x138: {  	_ =	swait.ge [sflag:s3], $0x2000  }
0x139: {  	[sflag:s3] =	ssyncset.done $0x0  }
0x13a: {  	s25 =	simm.s32 $0xC010;
	s23 =	simm.s32 $0x0;
	[sflag:s3] =	ssyncadd.s32 $0xFFFFE000  }
0x13b: {  	s23 =	sand.u32 $0x7C0, s23;
	v2 =	vld [tilespmem:s25+$0xFFFFEFF0]  }
0x13c: {  	v3 =	vld [tilespmem:s23+$0xB800]  }
0x13d: {  	v4 =	vld [tilespmem:s23+$0xC000]  }
0x13e: {  	v5 =	vld [tilespmem:s23+$0xC800]  }
0x13f: {  	v6 =	vld [tilespmem:s25+$0xFFFFF000]  }
0x140: {  	v7 =	vld [tilespmem:s25+$0xFFFFF800]  }
0x141: {  	v8 =	vld [tilespmem:s25+$0x0]  }
0x142: {  	v9 =	vld [tilespmem:s25+$0x800]  }
0x143: {  	v10 =	vld [tilespmem:s25+$0xFFFFF010]  }
0x144: {  	v11 =	vld [tilespmem:s25+$0xFFFFF810]  }
0x145: {  	v3 =	vadd.f32 v3, v2;
	v2 =	vld [tilespmem:s25+$0x10]  }
0x146: {  	v5 =	vadd.f32 v5, v4;
	v4 =	vld [tilespmem:s25+$0x810]  }
0x147: {  	v7 =	vadd.f32 v7, v6;
	v8 =	vadd.f32 v9, v8;
	v6 =	vld [tilespmem:s25+$0xFFFFF820]  }
0x148: {  	v12 =	vadd.f32 v5, v3;
	v3 =	vld [tilespmem:s25+$0xFFFFF020]  }
0x149: {  	s23 =	simm.s32 $0xA820;
	v5 =	vld [tilespmem:s25+$0x20];
	v9 =	vadd.f32 v8, v7  }
0x14a: {  	s24 =	simm.s32 $0x0;
	s26 =	simm.s32 $0x40;
	v8 =	vadd.f32 v11, v10;
	v7 =	vld [tilespmem:s25+$0x820];
	s25 =	simm.s32 $0xC050;
	[tilespmem:s23+$0xFFFFFFE0] =	vst v12  }
.LBB2_9:
0x14b: {  	v10 =	vld [tilespmem:s25+$0xFFFFEFF0];
	s28 =	sand.u32 $0x7C0, s26;
	[tilespmem:s23+$0xFFFFFFF0] =	vst v9;
	v2 =	vadd.f32 v4, v2  }
0x14c: {  	v4 =	vld [tilespmem:s28+$0xB800]  }
0x14d: {  	s24 =	sadd.s32 $0x4, s24;
	v3 =	vadd.f32 v6, v3;
	v9 =	vld [tilespmem:s28+$0xC000];
	v2 =	vadd.f32 v2, v8  }
0x14e: {  	p1 =	slt.u32 s24, $0x7C;
	v6 =	vld [tilespmem:s28+$0xC800]  }
0x14f: {  	v8 =	vld [tilespmem:s25+$0xFFFFF000];
	[tilespmem:s23+$0x0] =	vst v2;
	v2 =	vadd.f32 v7, v5  }
0x150: {  	v5 =	vld [tilespmem:s25+$0xFFFFF800]  }
0x151: {  	v7 =	vld [tilespmem:s25+$0x0];
	v2 =	vadd.f32 v2, v3  }
0x152: {  	v3 =	vld [tilespmem:s25+$0x800]  }
0x153: {  	v4 =	vadd.f32 v4, v10;
	v6 =	vadd.f32 v6, v9;
	v10 =	vld [tilespmem:s25+$0xFFFFF010];
	[tilespmem:s23+$0x10] =	vst v2  }
0x154: {  	v11 =	vld [tilespmem:s25+$0xFFFFF810]  }
0x155: {  	v6 =	vadd.f32 v6, v4;
	v5 =	vadd.f32 v5, v8;
	v2 =	vld [tilespmem:s25+$0x10]  }
.Ltmp6:
0x156: {  	s23 =	sadd.s32 $0x40, s23;
	v4 =	vld [tilespmem:s25+$0x810];
	(pc) =	sbr.rel @p1 .LBB2_9-.Ltmp6, $4  }
0x157: {  	[tilespmem:s23+$0xFFFFFFE0] =	vst v6;
	v7 =	vadd.f32 v3, v7;
	v3 =	vld [tilespmem:s25+$0xFFFFF020]  }
0x158: {  	v6 =	vld [tilespmem:s25+$0xFFFFF820]  }
0x159: {  	v9 =	vadd.f32 v7, v5;
	v8 =	vadd.f32 v11, v10;
	v5 =	vld [tilespmem:s25+$0x20]  }
0x15a: {  	s26 =	sadd.s32 $0x40, s26;
	v7 =	vld [tilespmem:s25+$0x820];
	s25 =	sadd.s32 $0x40, s25  }
.Ltmp7:
0x15b: {  	_ = 	snop;
	(pc) =	sbr.rel .LBB2_10-.Ltmp7, $1  }
0x15c: {  	_ =	sdelay $0x3  }
.LBB2_12:
0x15d: {  	_ =	sfence.sel $0x180000  }
0x15e: {  	[bflag:$0x0] =	sbarrier.arrive $0xFFFF  }
0x15f: {  	p0 =	sne.s32 s0, $0x0;
	_ =	strace $0x90000047  }
0x160: {  	s0 =	sadd.s32 @!p0 $0x100000, s1;
	[bflag:$0x2] =	sbarrier.arrive $0xFFFF  }
0x161: {  	[sflag:s0] =	ssyncadd.tile.s32 @!p0 $0x1;
	_ =	shalt  }
.Lfunc_end2:
_tile_overlayer_lowered:
.L_overlay_start_2:
0x162: {  	(tag) =	ssettag $0x2  }
0x163: {  	s0 =	rddreg [dreg:$0x0];
	s2 =	stileid.u32  }
0x164: {  	s1 =	rddreg [dreg:$0x1];
	p0 =	sne.s32 s2, $0x0  }
0x165: {  	s3 =	rddreg [dreg:$0x2];
	[bflag:$0x3] =	sbarrier.arrive $0xFFFF;
	s2 =	simm.s32 @!p0 $0x1C01  }
0x166: {  	[timem:s3], [sflag:s2] =	dma.local @!p0 [hbm:s0], s1  }
0x167: {  	s0 =	simm.s32 @!p0 $0x1  }
0x168: {  	_ =	swait.ge @!p0 [sflag:s0], s1  }
0x169: {  	s1 =	ssub.s32 @!p0 $0x0, s1;
	[sflag:s0] =	ssyncset.done @!p0 $0x0  }
0x16a: {  	[sflag:s0] =	ssyncadd.s32 @!p0 s1  }
0x16b: {  	[bflag:$0x3] =	sbarrier.arrive $0xFFFF  }
0x16c: {  	_ =	shalt  }

</sc_bundles>
